<compile_context>
chip_gen: v7x
topology: tpu7x:2x2x1
jax: 0.10.2.dev20260603
libtpu: 0.0.44.dev20260713+nightly
codegen_flags: <defaults>
</compile_context>

<pallas_src>
import jax
import jax.numpy as jnp
import numpy as np
from jax.experimental import pallas as pl
from jax.experimental.pallas import tpu as pltpu

NB = 16
N = 1024
M = 256
K = 64
Q = 128
R2 = np.float32(0.2 * 0.2)


def _fps_body(px_ref, py_ref, pz_ref, sel_ref, qx_ref, qy_ref, qz_ref):
    px = px_ref[...]
    py = py_ref[...]
    pz = pz_ref[...]
    iota = jax.lax.broadcasted_iota(jnp.int32, (NB, N), 1)
    iom = jax.lax.broadcasted_iota(jnp.int32, (NB, M), 1)
    p_all = jnp.concatenate([px, py, pz], axis=0)
    d0 = (px - px[:, 0:1]) ** 2 + (py - py[:, 0:1]) ** 2 + (pz - pz[:, 0:1]) ** 2
    acc0 = jnp.zeros((NB, M), jnp.int32)
    first = iom == 0
    ax0 = jnp.where(first, px[:, 0:1], 0.0)
    ay0 = jnp.where(first, py[:, 0:1], 0.0)
    az0 = jnp.where(first, pz[:, 0:1], 0.0)

    def body(s, carry):
        d, acc, ax, ay, az = carry
        m = jnp.max(d, axis=1, keepdims=True)
        cand = jnp.where(d == m, iota, N)
        sidx = jnp.min(cand, axis=1, keepdims=True)
        oh = iota == sidx
        ohb = jnp.concatenate([oh, oh, oh], axis=0)
        sxyz = jnp.sum(jnp.where(ohb, p_all, 0.0), axis=1, keepdims=True)
        sx = sxyz[0:NB]
        sy = sxyz[NB : 2 * NB]
        sz = sxyz[2 * NB : 3 * NB]
        dist = (px - sx) ** 2 + (py - sy) ** 2 + (pz - sz) ** 2
        here = iom == s
        acc = acc + jnp.where(here, sidx, 0)
        ax = ax + jnp.where(here, sx, 0.0)
        ay = ay + jnp.where(here, sy, 0.0)
        az = az + jnp.where(here, sz, 0.0)
        return (jnp.minimum(d, dist), acc, ax, ay, az)

    _, accf, axf, ayf, azf = jax.lax.fori_loop(
        1, M, body, (d0, acc0, ax0, ay0, az0), unroll=4)
    sel_ref[...] = accf.reshape(NB, M, 1)
    qx_ref[...] = axf.reshape(NB, M, 1)
    qy_ref[...] = ayf.reshape(NB, M, 1)
    qz_ref[...] = azf.reshape(NB, M, 1)


def _main_body(x_ref, pos_ref, px_ref, py_ref, pz_ref, qx_ref, qy_ref, qz_ref,
               w1_ref, b1_ref, w2_ref, b2_ref, out_ref, a_s):
    @pl.when(pl.program_id(1) == 0)
    def _():
        xw = jnp.dot(x_ref[0], w1_ref[0:128, :],
                     preferred_element_type=jnp.float32)
        p = pos_ref[0]
        a_s[...] = (xw + p[:, 0:1] * w1_ref[128:129, :]
                    + p[:, 1:2] * w1_ref[129:130, :]
                    + p[:, 2:3] * w1_ref[130:131, :])

    px = px_ref[0]
    py = py_ref[0]
    pz = pz_ref[0]
    qx = qx_ref[0]
    qy = qy_ref[0]
    qz = qz_ref[0]

    d2 = (qx - px) ** 2 + (qy - py) ** 2 + (qz - pz) ** 2
    win = d2 <= R2
    w = win.astype(jnp.int32)
    c = w
    sh = 1
    while sh < N:
        c = c + jnp.concatenate([jnp.zeros((Q, sh), jnp.int32), c[:, : N - sh]],
                                axis=1)
        sh *= 2
    rank = c - w
    count = jnp.minimum(c[:, N - 1 : N], K)
    slotid = jnp.where(win, rank, K)

    kio = jax.lax.broadcasted_iota(jnp.int32, (1, K, 1), 1)
    oh3 = slotid.reshape(Q, 1, N) == kio
    oh = oh3.reshape(Q * K, N).astype(jnp.float32)
    g = jnp.dot(oh, a_s[...], preferred_element_type=jnp.float32)

    tq = b1_ref[...] - (qx * w1_ref[128:129, :] + qy * w1_ref[129:130, :]
                        + qz * w1_ref[130:131, :])
    tqb = jnp.broadcast_to(tq.reshape(Q, 1, 128), (Q, K, 128)).reshape(Q * K, 128)
    h1 = jnp.maximum(g + tqb, 0.0)
    h2 = jnp.dot(h1, w2_ref[...], preferred_element_type=jnp.float32)

    h3 = h2.reshape(Q, K, 256)
    slot = jax.lax.broadcasted_iota(jnp.int32, (Q, K, 1), 1)
    hm = jnp.where(slot < count.reshape(Q, 1, 1), h3, -jnp.inf)
    mx = jnp.max(hm, axis=1)
    out_ref[0] = jnp.where(count > 0, mx + b2_ref[...], 0.0)


def kernel(x, pos, batch, W1, b1, W2, b2):
    f32 = jnp.float32
    pos3 = pos.reshape(NB, N, 3)
    px = pos3[..., 0]
    py = pos3[..., 1]
    pz = pos3[..., 2]
    b1r = b1.reshape(1, 128)
    b2r = b2.reshape(1, 256)

    sel, qxs, qys, qzs = pl.pallas_call(
        _fps_body,
        out_shape=[
            jax.ShapeDtypeStruct((NB, M, 1), jnp.int32),
            jax.ShapeDtypeStruct((NB, M, 1), f32),
            jax.ShapeDtypeStruct((NB, M, 1), f32),
            jax.ShapeDtypeStruct((NB, M, 1), f32),
        ],
    )(px, py, pz)

    x4 = x.reshape(NB, N, 128)
    px3 = px.reshape(NB, 1, N)
    py3 = py.reshape(NB, 1, N)
    pz3 = pz.reshape(NB, 1, N)
    nchunk = M // Q

    out = pl.pallas_call(
        _main_body,
        grid=(NB, nchunk),
        in_specs=[
            pl.BlockSpec((1, N, 128), lambda b, c: (b, 0, 0)),
            pl.BlockSpec((1, N, 3), lambda b, c: (b, 0, 0)),
            pl.BlockSpec((1, 1, N), lambda b, c: (b, 0, 0)),
            pl.BlockSpec((1, 1, N), lambda b, c: (b, 0, 0)),
            pl.BlockSpec((1, 1, N), lambda b, c: (b, 0, 0)),
            pl.BlockSpec((1, Q, 1), lambda b, c: (b, c, 0)),
            pl.BlockSpec((1, Q, 1), lambda b, c: (b, c, 0)),
            pl.BlockSpec((1, Q, 1), lambda b, c: (b, c, 0)),
            pl.BlockSpec((131, 128), lambda b, c: (0, 0)),
            pl.BlockSpec((1, 128), lambda b, c: (0, 0)),
            pl.BlockSpec((128, 256), lambda b, c: (0, 0)),
            pl.BlockSpec((1, 256), lambda b, c: (0, 0)),
        ],
        out_specs=pl.BlockSpec((1, Q, 256), lambda b, c: (b, c, 0)),
        out_shape=jax.ShapeDtypeStruct((NB, M, 256), f32),
        scratch_shapes=[pltpu.VMEM((N, 128), f32)],
    )(x4, pos3, px3, py3, pz3, qxs, qys, qzs, W1, b1r, W2, b2r)

    pos_dst = jnp.concatenate(
        [qxs.reshape(-1, 1), qys.reshape(-1, 1), qzs.reshape(-1, 1)], axis=1)
    sel2 = sel.reshape(NB, M)
    batch_out = jnp.take_along_axis(batch.reshape(NB, N), sel2, axis=1).reshape(-1)
    return (out.reshape(NB * M, 256), pos_dst, batch_out)

# --- scband reference (transcript-rebuilt; emitter-appended) ---
"""Pipeline reference for scband-samodule-ratio-80272938762721 (READ-ONLY COPY).

The authoritative reference and input builder live on the scoring server;
editing this copy changes nothing except your own understanding.
"""

import jax, jax.numpy as jnp
import numpy as np

RATIO = 0.25
R = 0.2
MAX_NN = 64
NB = 16
NPTS = 1024


def _fps_jax(pos3, m):
    def one(p):
        d0 = jnp.sum((p - p[0]) ** 2, axis=1)

        def body(d, _):
            s = jnp.argmax(d)
            d_new = jnp.minimum(d, jnp.sum((p - p[s]) ** 2, axis=1))
            return d_new, s

        _, sels = jax.lax.scan(body, d0, None, length=m - 1)
        return jnp.concatenate([jnp.zeros((1,), dtype=sels.dtype), sels])

    return jax.vmap(one)(pos3)


def _radius_jax(pos3, qpos3, r, max_nn):
    d2 = jnp.sum((qpos3[:, :, None, :] - pos3[:, None, :, :]) ** 2, axis=3)
    within = d2 <= r * r
    order = jnp.argsort(~within, axis=2, stable=True)[:, :, :max_nn]
    valid = jnp.take_along_axis(within, order, axis=2)
    return order, valid


def setup_inputs(seed: int = 0):
    key = jax.random.key(seed)
    k1, k2, k3, k4 = jax.random.split(key, 4)
    x = jax.random.normal(k1, (NB * NPTS, 128), dtype=jnp.float32)
    pos = jax.random.uniform(k2, (NB * NPTS, 3), dtype=jnp.float32)
    batch = jnp.repeat(jnp.arange(NB, dtype=jnp.int32), NPTS)
    W1 = jax.random.normal(k3, (131, 128), dtype=jnp.float32) / np.sqrt(131.0)
    b1 = jnp.zeros((128,), dtype=jnp.float32)
    W2 = jax.random.normal(k4, (128, 256), dtype=jnp.float32) / np.sqrt(128.0)
    b2 = jnp.zeros((256,), dtype=jnp.float32)
    return {'x': x, 'pos': pos, 'batch': batch, 'W1': W1, 'b1': b1, 'W2': W2, 'b2': b2}


def reference(x, pos, batch, W1, b1, W2, b2):
    n = pos.shape[0] // NB
    m = int(np.ceil(RATIO * n))
    pos3 = pos.reshape(NB, n, 3)
    sel = _fps_jax(pos3, m)
    idx = (jnp.arange(NB, dtype=sel.dtype)[:, None] * n + sel).reshape(-1)
    qpos3 = jnp.take_along_axis(pos3, sel[:, :, None], axis=1)
    order, valid = _radius_jax(pos3, qpos3, R, MAX_NN)
    mq = NB * m
    rowg = jnp.arange(NB)[:, None, None] * m + jnp.arange(m)[None, :, None]
    colg = jnp.arange(NB)[:, None, None] * n + order
    seg = jnp.where(valid, rowg, mq).reshape(-1)
    src = jnp.where(valid, colg, 0).reshape(-1)
    pos_dst = pos[idx]
    x_j = x[src]
    pos_j = pos[src]
    pos_i = pos_dst[seg]
    msg = jnp.concatenate([x_j, pos_j - pos_i], axis=1)
    h = jnp.maximum(msg @ W1 + b1, 0.0)
    h = h @ W2 + b2
    out = jax.ops.segment_max(h, seg, num_segments=mq)
    out = jnp.where(jnp.isfinite(out), out, 0.0)
    return (out, pos_dst, batch[idx])

if __name__ == "__main__":
    import jax
    _d = setup_inputs()
    print(jax.jit(kernel)(*tuple(_d.values())))

</pallas_src>

<mosaic_0001>
module attributes {stable_mosaic.version = 14 : i64} {
  func.func @_fps_body(%arg0: memref<16x1024xf32, #tpu.memory_space<vmem>>, %arg1: memref<16x1024xf32, #tpu.memory_space<vmem>>, %arg2: memref<16x1024xf32, #tpu.memory_space<vmem>>, %arg3: memref<16x256x1xi32, #tpu.memory_space<vmem>>, %arg4: memref<16x256x1xf32, #tpu.memory_space<vmem>>, %arg5: memref<16x256x1xf32, #tpu.memory_space<vmem>>, %arg6: memref<16x256x1xf32, #tpu.memory_space<vmem>>) attributes {dimension_semantics = [], scalar_prefetch = 0 : i64, scratch_operands = 0 : i64, tpu.core_type = #tpu.core_type<tc>} {
    %get3A = arith.constant 0 : index
    %get3A_0 = arith.constant 0 : index
    %get3A_1 = vector.load %arg0[%get3A, %get3A_0] : memref<16x1024xf32, #tpu.memory_space<vmem>>, vector<16x1024xf32>
    %get3A_2 = arith.constant 0 : index
    %get3A_3 = arith.constant 0 : index
    %get3A_4 = vector.load %arg1[%get3A_2, %get3A_3] : memref<16x1024xf32, #tpu.memory_space<vmem>>, vector<16x1024xf32>
    %get3A_5 = arith.constant 0 : index
    %get3A_6 = arith.constant 0 : index
    %get3A_7 = vector.load %arg2[%get3A_5, %get3A_6] : memref<16x1024xf32, #tpu.memory_space<vmem>>, vector<16x1024xf32>
    %iota3A = tpu.iota {dimensions = array<i32: 1>} : vector<16x1024xi32>
    %iota3A_8 = tpu.iota {dimensions = array<i32: 1>} : vector<16x256xi32>
    %concatenate3A = tpu.concatenate %get3A_1, %get3A_4, %get3A_7 in 0 : vector<16x1024xf32>, vector<16x1024xf32>, vector<16x1024xf32> -> vector<48x1024xf32>
    %slice3A = vector.extract_strided_slice %get3A_1 {offsets = [0, 0], sizes = [16, 1], strides = [1, 1]} : vector<16x1024xf32> to vector<16x1xf32>
    %sub3A = vector.broadcast %slice3A : vector<16x1xf32> to vector<16x1024xf32>
    %sub3A_9 = arith.subf %get3A_1, %sub3A : vector<16x1024xf32>
    %integer_pow3A = arith.mulf %sub3A_9, %sub3A_9 : vector<16x1024xf32>
    %slice3A_10 = vector.extract_strided_slice %get3A_4 {offsets = [0, 0], sizes = [16, 1], strides = [1, 1]} : vector<16x1024xf32> to vector<16x1xf32>
    %sub3A_11 = vector.broadcast %slice3A_10 : vector<16x1xf32> to vector<16x1024xf32>
    %sub3A_12 = arith.subf %get3A_4, %sub3A_11 : vector<16x1024xf32>
    %integer_pow3A_13 = arith.mulf %sub3A_12, %sub3A_12 : vector<16x1024xf32>
    %add3A = arith.addf %integer_pow3A, %integer_pow3A_13 : vector<16x1024xf32>
    %slice3A_14 = vector.extract_strided_slice %get3A_7 {offsets = [0, 0], sizes = [16, 1], strides = [1, 1]} : vector<16x1024xf32> to vector<16x1xf32>
    %sub3A_15 = vector.broadcast %slice3A_14 : vector<16x1xf32> to vector<16x1024xf32>
    %sub3A_16 = arith.subf %get3A_7, %sub3A_15 : vector<16x1024xf32>
    %integer_pow3A_17 = arith.mulf %sub3A_16, %sub3A_16 : vector<16x1024xf32>
    %add3A_18 = arith.addf %add3A, %integer_pow3A_17 : vector<16x1024xf32>
    %broadcast_in_dim3A = arith.constant 0 : i32
    %broadcast_in_dim3A_19 = vector.broadcast %broadcast_in_dim3A : i32 to vector<16x256xi32>
    %eq3A = arith.constant 0 : i32
    %eq3A_20 = vector.broadcast %eq3A : i32 to vector<16x256xi32>
    %eq3A_21 = arith.cmpi eq, %iota3A_8, %eq3A_20 : vector<16x256xi32>
    %slice3A_22 = vector.extract_strided_slice %get3A_1 {offsets = [0, 0], sizes = [16, 1], strides = [1, 1]} : vector<16x1024xf32> to vector<16x1xf32>
    %jit3A = arith.constant 0.000000e+00 : f32
    %broadcast_in_dim3A_23 = vector.shape_cast %slice3A_22 : vector<16x1xf32> to vector<16x1xf32>
    %broadcast_in_dim3A_24 = vector.broadcast %broadcast_in_dim3A_23 : vector<16x1xf32> to vector<16x256xf32>
    %broadcast_in_dim3A_25 = vector.broadcast %jit3A : f32 to vector<16x256xf32>
    %select_n3A = arith.select %eq3A_21, %broadcast_in_dim3A_24, %broadcast_in_dim3A_25 : vector<16x256xi1>, vector<16x256xf32>
    %slice3A_26 = vector.extract_strided_slice %get3A_4 {offsets = [0, 0], sizes = [16, 1], strides = [1, 1]} : vector<16x1024xf32> to vector<16x1xf32>
    %jit3A_27 = arith.constant 0.000000e+00 : f32
    %broadcast_in_dim3A_28 = vector.shape_cast %slice3A_26 : vector<16x1xf32> to vector<16x1xf32>
    %broadcast_in_dim3A_29 = vector.broadcast %broadcast_in_dim3A_28 : vector<16x1xf32> to vector<16x256xf32>
    %broadcast_in_dim3A_30 = vector.broadcast %jit3A_27 : f32 to vector<16x256xf32>
    %select_n3A_31 = arith.select %eq3A_21, %broadcast_in_dim3A_29, %broadcast_in_dim3A_30 : vector<16x256xi1>, vector<16x256xf32>
    %slice3A_32 = vector.extract_strided_slice %get3A_7 {offsets = [0, 0], sizes = [16, 1], strides = [1, 1]} : vector<16x1024xf32> to vector<16x1xf32>
    %jit3A_33 = arith.constant 0.000000e+00 : f32
    %broadcast_in_dim3A_34 = vector.shape_cast %slice3A_32 : vector<16x1xf32> to vector<16x1xf32>
    %broadcast_in_dim3A_35 = vector.broadcast %broadcast_in_dim3A_34 : vector<16x1xf32> to vector<16x256xf32>
    %broadcast_in_dim3A_36 = vector.broadcast %jit3A_33 : f32 to vector<16x256xf32>
    %select_n3A_37 = arith.select %eq3A_21, %broadcast_in_dim3A_35, %broadcast_in_dim3A_36 : vector<16x256xi1>, vector<16x256xf32>
    %scan3A = arith.constant 1 : i32
    %scan3A_38 = arith.constant 252 : i32
    %scan3A_39 = arith.addi %scan3A, %scan3A_38 : i32
    %scan3A_40 = arith.constant 4 : i32
    %scan3A_41:5 = scf.for %scan3A_246 = %scan3A to %scan3A_39 step %scan3A_40 iter_args(%scan3A_247 = %add3A_18, %scan3A_248 = %broadcast_in_dim3A_19, %scan3A_249 = %select_n3A, %scan3A_250 = %select_n3A_31, %scan3A_251 = %select_n3A_37) -> (vector<16x1024xf32>, vector<16x256xi32>, vector<16x256xf32>, vector<16x256xf32>, vector<16x256xf32>)  : i32 {
      %reduce_max3A_252 = arith.constant dense<0xFF800000> : vector<16xf32>
      %reduce_max3A_253 = vector.multi_reduction <maximumf>, %scan3A_247, %reduce_max3A_252 [1] : vector<16x1024xf32> to vector<16xf32>
      %broadcast_in_dim3A_254 = vector.shape_cast %reduce_max3A_253 : vector<16xf32> to vector<16x1xf32>
      %eq3A_255 = vector.broadcast %broadcast_in_dim3A_254 : vector<16x1xf32> to vector<16x1024xf32>
      %eq3A_256 = arith.cmpf oeq, %scan3A_247, %eq3A_255 : vector<16x1024xf32>
      %jit3A_257 = arith.constant 1024 : i32
      %broadcast_in_dim3A_258 = vector.broadcast %jit3A_257 : i32 to vector<16x1024xi32>
      %select_n3A_259 = arith.select %eq3A_256, %iota3A, %broadcast_in_dim3A_258 : vector<16x1024xi1>, vector<16x1024xi32>
      %reduce_min3A_260 = arith.constant dense<2147483647> : vector<16xi32>
      %reduce_min3A_261 = vector.multi_reduction <minsi>, %select_n3A_259, %reduce_min3A_260 [1] : vector<16x1024xi32> to vector<16xi32>
      %broadcast_in_dim3A_262 = vector.shape_cast %reduce_min3A_261 : vector<16xi32> to vector<16x1xi32>
      %eq3A_263 = vector.broadcast %broadcast_in_dim3A_262 : vector<16x1xi32> to vector<16x1024xi32>
      %eq3A_264 = arith.cmpi eq, %iota3A, %eq3A_263 : vector<16x1024xi32>
      %concatenate3A_265 = tpu.concatenate %eq3A_264, %eq3A_264, %eq3A_264 in 0 : vector<16x1024xi1>, vector<16x1024xi1>, vector<16x1024xi1> -> vector<48x1024xi1>
      %jit3A_266 = arith.constant 0.000000e+00 : f32
      %broadcast_in_dim3A_267 = vector.broadcast %jit3A_266 : f32 to vector<48x1024xf32>
      %select_n3A_268 = arith.select %concatenate3A_265, %concatenate3A, %broadcast_in_dim3A_267 : vector<48x1024xi1>, vector<48x1024xf32>
      %reduce_sum3A_269 = arith.constant dense<0.000000e+00> : vector<48xf32>
      %reduce_sum3A_270 = vector.multi_reduction <add>, %select_n3A_268, %reduce_sum3A_269 [1] : vector<48x1024xf32> to vector<48xf32>
      %broadcast_in_dim3A_271 = vector.shape_cast %reduce_sum3A_270 : vector<48xf32> to vector<48x1xf32>
      %slice3A_272 = vector.extract_strided_slice %broadcast_in_dim3A_271 {offsets = [0, 0], sizes = [16, 1], strides = [1, 1]} : vector<48x1xf32> to vector<16x1xf32>
      %slice3A_273 = vector.extract_strided_slice %broadcast_in_dim3A_271 {offsets = [16, 0], sizes = [16, 1], strides = [1, 1]} : vector<48x1xf32> to vector<16x1xf32>
      %slice3A_274 = vector.extract_strided_slice %broadcast_in_dim3A_271 {offsets = [32, 0], sizes = [16, 1], strides = [1, 1]} : vector<48x1xf32> to vector<16x1xf32>
      %sub3A_275 = vector.broadcast %slice3A_272 : vector<16x1xf32> to vector<16x1024xf32>
      %sub3A_276 = arith.subf %get3A_1, %sub3A_275 : vector<16x1024xf32>
      %integer_pow3A_277 = arith.mulf %sub3A_276, %sub3A_276 : vector<16x1024xf32>
      %sub3A_278 = vector.broadcast %slice3A_273 : vector<16x1xf32> to vector<16x1024xf32>
      %sub3A_279 = arith.subf %get3A_4, %sub3A_278 : vector<16x1024xf32>
      %integer_pow3A_280 = arith.mulf %sub3A_279, %sub3A_279 : vector<16x1024xf32>
      %add3A_281 = arith.addf %integer_pow3A_277, %integer_pow3A_280 : vector<16x1024xf32>
      %sub3A_282 = vector.broadcast %slice3A_274 : vector<16x1xf32> to vector<16x1024xf32>
      %sub3A_283 = arith.subf %get3A_7, %sub3A_282 : vector<16x1024xf32>
      %integer_pow3A_284 = arith.mulf %sub3A_283, %sub3A_283 : vector<16x1024xf32>
      %add3A_285 = arith.addf %add3A_281, %integer_pow3A_284 : vector<16x1024xf32>
      %eq3A_286 = vector.broadcast %scan3A_246 : i32 to vector<16x256xi32>
      %eq3A_287 = arith.cmpi eq, %iota3A_8, %eq3A_286 : vector<16x256xi32>
      %jit3A_288 = arith.constant 0 : i32
      %broadcast_in_dim3A_289 = vector.shape_cast %broadcast_in_dim3A_262 : vector<16x1xi32> to vector<16x1xi32>
      %broadcast_in_dim3A_290 = vector.broadcast %broadcast_in_dim3A_289 : vector<16x1xi32> to vector<16x256xi32>
      %broadcast_in_dim3A_291 = vector.broadcast %jit3A_288 : i32 to vector<16x256xi32>
      %select_n3A_292 = arith.select %eq3A_287, %broadcast_in_dim3A_290, %broadcast_in_dim3A_291 : vector<16x256xi1>, vector<16x256xi32>
      %add3A_293 = arith.addi %scan3A_248, %select_n3A_292 : vector<16x256xi32>
      %jit3A_294 = arith.constant 0.000000e+00 : f32
      %broadcast_in_dim3A_295 = vector.shape_cast %slice3A_272 : vector<16x1xf32> to vector<16x1xf32>
      %broadcast_in_dim3A_296 = vector.broadcast %broadcast_in_dim3A_295 : vector<16x1xf32> to vector<16x256xf32>
      %broadcast_in_dim3A_297 = vector.broadcast %jit3A_294 : f32 to vector<16x256xf32>
      %select_n3A_298 = arith.select %eq3A_287, %broadcast_in_dim3A_296, %broadcast_in_dim3A_297 : vector<16x256xi1>, vector<16x256xf32>
      %add3A_299 = arith.addf %scan3A_249, %select_n3A_298 : vector<16x256xf32>
      %jit3A_300 = arith.constant 0.000000e+00 : f32
      %broadcast_in_dim3A_301 = vector.shape_cast %slice3A_273 : vector<16x1xf32> to vector<16x1xf32>
      %broadcast_in_dim3A_302 = vector.broadcast %broadcast_in_dim3A_301 : vector<16x1xf32> to vector<16x256xf32>
      %broadcast_in_dim3A_303 = vector.broadcast %jit3A_300 : f32 to vector<16x256xf32>
      %select_n3A_304 = arith.select %eq3A_287, %broadcast_in_dim3A_302, %broadcast_in_dim3A_303 : vector<16x256xi1>, vector<16x256xf32>
      %add3A_305 = arith.addf %scan3A_250, %select_n3A_304 : vector<16x256xf32>
      %jit3A_306 = arith.constant 0.000000e+00 : f32
      %broadcast_in_dim3A_307 = vector.shape_cast %slice3A_274 : vector<16x1xf32> to vector<16x1xf32>
      %broadcast_in_dim3A_308 = vector.broadcast %broadcast_in_dim3A_307 : vector<16x1xf32> to vector<16x256xf32>
      %broadcast_in_dim3A_309 = vector.broadcast %jit3A_306 : f32 to vector<16x256xf32>
      %select_n3A_310 = arith.select %eq3A_287, %broadcast_in_dim3A_308, %broadcast_in_dim3A_309 : vector<16x256xi1>, vector<16x256xf32>
      %add3A_311 = arith.addf %scan3A_251, %select_n3A_310 : vector<16x256xf32>
      %min3A_312 = arith.minimumf %scan3A_247, %add3A_285 : vector<16x1024xf32>
      %scan3A_313 = arith.constant 1 : i32
      %scan3A_314 = arith.addi %scan3A_246, %scan3A_313 : i32
      %reduce_max3A_315 = arith.constant dense<0xFF800000> : vector<16xf32>
      %reduce_max3A_316 = vector.multi_reduction <maximumf>, %min3A_312, %reduce_max3A_315 [1] : vector<16x1024xf32> to vector<16xf32>
      %broadcast_in_dim3A_317 = vector.shape_cast %reduce_max3A_316 : vector<16xf32> to vector<16x1xf32>
      %eq3A_318 = vector.broadcast %broadcast_in_dim3A_317 : vector<16x1xf32> to vector<16x1024xf32>
      %eq3A_319 = arith.cmpf oeq, %min3A_312, %eq3A_318 : vector<16x1024xf32>
      %jit3A_320 = arith.constant 1024 : i32
      %broadcast_in_dim3A_321 = vector.broadcast %jit3A_320 : i32 to vector<16x1024xi32>
      %select_n3A_322 = arith.select %eq3A_319, %iota3A, %broadcast_in_dim3A_321 : vector<16x1024xi1>, vector<16x1024xi32>
      %reduce_min3A_323 = arith.constant dense<2147483647> : vector<16xi32>
      %reduce_min3A_324 = vector.multi_reduction <minsi>, %select_n3A_322, %reduce_min3A_323 [1] : vector<16x1024xi32> to vector<16xi32>
      %broadcast_in_dim3A_325 = vector.shape_cast %reduce_min3A_324 : vector<16xi32> to vector<16x1xi32>
      %eq3A_326 = vector.broadcast %broadcast_in_dim3A_325 : vector<16x1xi32> to vector<16x1024xi32>
      %eq3A_327 = arith.cmpi eq, %iota3A, %eq3A_326 : vector<16x1024xi32>
      %concatenate3A_328 = tpu.concatenate %eq3A_327, %eq3A_327, %eq3A_327 in 0 : vector<16x1024xi1>, vector<16x1024xi1>, vector<16x1024xi1> -> vector<48x1024xi1>
      %jit3A_329 = arith.constant 0.000000e+00 : f32
      %broadcast_in_dim3A_330 = vector.broadcast %jit3A_329 : f32 to vector<48x1024xf32>
      %select_n3A_331 = arith.select %concatenate3A_328, %concatenate3A, %broadcast_in_dim3A_330 : vector<48x1024xi1>, vector<48x1024xf32>
      %reduce_sum3A_332 = arith.constant dense<0.000000e+00> : vector<48xf32>
      %reduce_sum3A_333 = vector.multi_reduction <add>, %select_n3A_331, %reduce_sum3A_332 [1] : vector<48x1024xf32> to vector<48xf32>
      %broadcast_in_dim3A_334 = vector.shape_cast %reduce_sum3A_333 : vector<48xf32> to vector<48x1xf32>
      %slice3A_335 = vector.extract_strided_slice %broadcast_in_dim3A_334 {offsets = [0, 0], sizes = [16, 1], strides = [1, 1]} : vector<48x1xf32> to vector<16x1xf32>
      %slice3A_336 = vector.extract_strided_slice %broadcast_in_dim3A_334 {offsets = [16, 0], sizes = [16, 1], strides = [1, 1]} : vector<48x1xf32> to vector<16x1xf32>
      %slice3A_337 = vector.extract_strided_slice %broadcast_in_dim3A_334 {offsets = [32, 0], sizes = [16, 1], strides = [1, 1]} : vector<48x1xf32> to vector<16x1xf32>
      %sub3A_338 = vector.broadcast %slice3A_335 : vector<16x1xf32> to vector<16x1024xf32>
      %sub3A_339 = arith.subf %get3A_1, %sub3A_338 : vector<16x1024xf32>
      %integer_pow3A_340 = arith.mulf %sub3A_339, %sub3A_339 : vector<16x1024xf32>
      %sub3A_341 = vector.broadcast %slice3A_336 : vector<16x1xf32> to vector<16x1024xf32>
      %sub3A_342 = arith.subf %get3A_4, %sub3A_341 : vector<16x1024xf32>
      %integer_pow3A_343 = arith.mulf %sub3A_342, %sub3A_342 : vector<16x1024xf32>
      %add3A_344 = arith.addf %integer_pow3A_340, %integer_pow3A_343 : vector<16x1024xf32>
      %sub3A_345 = vector.broadcast %slice3A_337 : vector<16x1xf32> to vector<16x1024xf32>
      %sub3A_346 = arith.subf %get3A_7, %sub3A_345 : vector<16x1024xf32>
      %integer_pow3A_347 = arith.mulf %sub3A_346, %sub3A_346 : vector<16x1024xf32>
      %add3A_348 = arith.addf %add3A_344, %integer_pow3A_347 : vector<16x1024xf32>
      %eq3A_349 = vector.broadcast %scan3A_314 : i32 to vector<16x256xi32>
      %eq3A_350 = arith.cmpi eq, %iota3A_8, %eq3A_349 : vector<16x256xi32>
      %jit3A_351 = arith.constant 0 : i32
      %broadcast_in_dim3A_352 = vector.shape_cast %broadcast_in_dim3A_325 : vector<16x1xi32> to vector<16x1xi32>
      %broadcast_in_dim3A_353 = vector.broadcast %broadcast_in_dim3A_352 : vector<16x1xi32> to vector<16x256xi32>
      %broadcast_in_dim3A_354 = vector.broadcast %jit3A_351 : i32 to vector<16x256xi32>
      %select_n3A_355 = arith.select %eq3A_350, %broadcast_in_dim3A_353, %broadcast_in_dim3A_354 : vector<16x256xi1>, vector<16x256xi32>
      %add3A_356 = arith.addi %add3A_293, %select_n3A_355 : vector<16x256xi32>
      %jit3A_357 = arith.constant 0.000000e+00 : f32
      %broadcast_in_dim3A_358 = vector.shape_cast %slice3A_335 : vector<16x1xf32> to vector<16x1xf32>
      %broadcast_in_dim3A_359 = vector.broadcast %broadcast_in_dim3A_358 : vector<16x1xf32> to vector<16x256xf32>
      %broadcast_in_dim3A_360 = vector.broadcast %jit3A_357 : f32 to vector<16x256xf32>
      %select_n3A_361 = arith.select %eq3A_350, %broadcast_in_dim3A_359, %broadcast_in_dim3A_360 : vector<16x256xi1>, vector<16x256xf32>
      %add3A_362 = arith.addf %add3A_299, %select_n3A_361 : vector<16x256xf32>
      %jit3A_363 = arith.constant 0.000000e+00 : f32
      %broadcast_in_dim3A_364 = vector.shape_cast %slice3A_336 : vector<16x1xf32> to vector<16x1xf32>
      %broadcast_in_dim3A_365 = vector.broadcast %broadcast_in_dim3A_364 : vector<16x1xf32> to vector<16x256xf32>
      %broadcast_in_dim3A_366 = vector.broadcast %jit3A_363 : f32 to vector<16x256xf32>
      %select_n3A_367 = arith.select %eq3A_350, %broadcast_in_dim3A_365, %broadcast_in_dim3A_366 : vector<16x256xi1>, vector<16x256xf32>
      %add3A_368 = arith.addf %add3A_305, %select_n3A_367 : vector<16x256xf32>
      %jit3A_369 = arith.constant 0.000000e+00 : f32
      %broadcast_in_dim3A_370 = vector.shape_cast %slice3A_337 : vector<16x1xf32> to vector<16x1xf32>
      %broadcast_in_dim3A_371 = vector.broadcast %broadcast_in_dim3A_370 : vector<16x1xf32> to vector<16x256xf32>
      %broadcast_in_dim3A_372 = vector.broadcast %jit3A_369 : f32 to vector<16x256xf32>
      %select_n3A_373 = arith.select %eq3A_350, %broadcast_in_dim3A_371, %broadcast_in_dim3A_372 : vector<16x256xi1>, vector<16x256xf32>
      %add3A_374 = arith.addf %add3A_311, %select_n3A_373 : vector<16x256xf32>
      %min3A_375 = arith.minimumf %min3A_312, %add3A_348 : vector<16x1024xf32>
      %scan3A_376 = arith.constant 2 : i32
      %scan3A_377 = arith.addi %scan3A_246, %scan3A_376 : i32
      %reduce_max3A_378 = arith.constant dense<0xFF800000> : vector<16xf32>
      %reduce_max3A_379 = vector.multi_reduction <maximumf>, %min3A_375, %reduce_max3A_378 [1] : vector<16x1024xf32> to vector<16xf32>
      %broadcast_in_dim3A_380 = vector.shape_cast %reduce_max3A_379 : vector<16xf32> to vector<16x1xf32>
      %eq3A_381 = vector.broadcast %broadcast_in_dim3A_380 : vector<16x1xf32> to vector<16x1024xf32>
      %eq3A_382 = arith.cmpf oeq, %min3A_375, %eq3A_381 : vector<16x1024xf32>
      %jit3A_383 = arith.constant 1024 : i32
      %broadcast_in_dim3A_384 = vector.broadcast %jit3A_383 : i32 to vector<16x1024xi32>
      %select_n3A_385 = arith.select %eq3A_382, %iota3A, %broadcast_in_dim3A_384 : vector<16x1024xi1>, vector<16x1024xi32>
      %reduce_min3A_386 = arith.constant dense<2147483647> : vector<16xi32>
      %reduce_min3A_387 = vector.multi_reduction <minsi>, %select_n3A_385, %reduce_min3A_386 [1] : vector<16x1024xi32> to vector<16xi32>
      %broadcast_in_dim3A_388 = vector.shape_cast %reduce_min3A_387 : vector<16xi32> to vector<16x1xi32>
      %eq3A_389 = vector.broadcast %broadcast_in_dim3A_388 : vector<16x1xi32> to vector<16x1024xi32>
      %eq3A_390 = arith.cmpi eq, %iota3A, %eq3A_389 : vector<16x1024xi32>
      %concatenate3A_391 = tpu.concatenate %eq3A_390, %eq3A_390, %eq3A_390 in 0 : vector<16x1024xi1>, vector<16x1024xi1>, vector<16x1024xi1> -> vector<48x1024xi1>
      %jit3A_392 = arith.constant 0.000000e+00 : f32
      %broadcast_in_dim3A_393 = vector.broadcast %jit3A_392 : f32 to vector<48x1024xf32>
      %select_n3A_394 = arith.select %concatenate3A_391, %concatenate3A, %broadcast_in_dim3A_393 : vector<48x1024xi1>, vector<48x1024xf32>
      %reduce_sum3A_395 = arith.constant dense<0.000000e+00> : vector<48xf32>
      %reduce_sum3A_396 = vector.multi_reduction <add>, %select_n3A_394, %reduce_sum3A_395 [1] : vector<48x1024xf32> to vector<48xf32>
      %broadcast_in_dim3A_397 = vector.shape_cast %reduce_sum3A_396 : vector<48xf32> to vector<48x1xf32>
      %slice3A_398 = vector.extract_strided_slice %broadcast_in_dim3A_397 {offsets = [0, 0], sizes = [16, 1], strides = [1, 1]} : vector<48x1xf32> to vector<16x1xf32>
      %slice3A_399 = vector.extract_strided_slice %broadcast_in_dim3A_397 {offsets = [16, 0], sizes = [16, 1], strides = [1, 1]} : vector<48x1xf32> to vector<16x1xf32>
      %slice3A_400 = vector.extract_strided_slice %broadcast_in_dim3A_397 {offsets = [32, 0], sizes = [16, 1], strides = [1, 1]} : vector<48x1xf32> to vector<16x1xf32>
      %sub3A_401 = vector.broadcast %slice3A_398 : vector<16x1xf32> to vector<16x1024xf32>
      %sub3A_402 = arith.subf %get3A_1, %sub3A_401 : vector<16x1024xf32>
      %integer_pow3A_403 = arith.mulf %sub3A_402, %sub3A_402 : vector<16x1024xf32>
      %sub3A_404 = vector.broadcast %slice3A_399 : vector<16x1xf32> to vector<16x1024xf32>
      %sub3A_405 = arith.subf %get3A_4, %sub3A_404 : vector<16x1024xf32>
      %integer_pow3A_406 = arith.mulf %sub3A_405, %sub3A_405 : vector<16x1024xf32>
      %add3A_407 = arith.addf %integer_pow3A_403, %integer_pow3A_406 : vector<16x1024xf32>
      %sub3A_408 = vector.broadcast %slice3A_400 : vector<16x1xf32> to vector<16x1024xf32>
      %sub3A_409 = arith.subf %get3A_7, %sub3A_408 : vector<16x1024xf32>
      %integer_pow3A_410 = arith.mulf %sub3A_409, %sub3A_409 : vector<16x1024xf32>
      %add3A_411 = arith.addf %add3A_407, %integer_pow3A_410 : vector<16x1024xf32>
      %eq3A_412 = vector.broadcast %scan3A_377 : i32 to vector<16x256xi32>
      %eq3A_413 = arith.cmpi eq, %iota3A_8, %eq3A_412 : vector<16x256xi32>
      %jit3A_414 = arith.constant 0 : i32
      %broadcast_in_dim3A_415 = vector.shape_cast %broadcast_in_dim3A_388 : vector<16x1xi32> to vector<16x1xi32>
      %broadcast_in_dim3A_416 = vector.broadcast %broadcast_in_dim3A_415 : vector<16x1xi32> to vector<16x256xi32>
      %broadcast_in_dim3A_417 = vector.broadcast %jit3A_414 : i32 to vector<16x256xi32>
      %select_n3A_418 = arith.select %eq3A_413, %broadcast_in_dim3A_416, %broadcast_in_dim3A_417 : vector<16x256xi1>, vector<16x256xi32>
      %add3A_419 = arith.addi %add3A_356, %select_n3A_418 : vector<16x256xi32>
      %jit3A_420 = arith.constant 0.000000e+00 : f32
      %broadcast_in_dim3A_421 = vector.shape_cast %slice3A_398 : vector<16x1xf32> to vector<16x1xf32>
      %broadcast_in_dim3A_422 = vector.broadcast %broadcast_in_dim3A_421 : vector<16x1xf32> to vector<16x256xf32>
      %broadcast_in_dim3A_423 = vector.broadcast %jit3A_420 : f32 to vector<16x256xf32>
      %select_n3A_424 = arith.select %eq3A_413, %broadcast_in_dim3A_422, %broadcast_in_dim3A_423 : vector<16x256xi1>, vector<16x256xf32>
      %add3A_425 = arith.addf %add3A_362, %select_n3A_424 : vector<16x256xf32>
      %jit3A_426 = arith.constant 0.000000e+00 : f32
      %broadcast_in_dim3A_427 = vector.shape_cast %slice3A_399 : vector<16x1xf32> to vector<16x1xf32>
      %broadcast_in_dim3A_428 = vector.broadcast %broadcast_in_dim3A_427 : vector<16x1xf32> to vector<16x256xf32>
      %broadcast_in_dim3A_429 = vector.broadcast %jit3A_426 : f32 to vector<16x256xf32>
      %select_n3A_430 = arith.select %eq3A_413, %broadcast_in_dim3A_428, %broadcast_in_dim3A_429 : vector<16x256xi1>, vector<16x256xf32>
      %add3A_431 = arith.addf %add3A_368, %select_n3A_430 : vector<16x256xf32>
      %jit3A_432 = arith.constant 0.000000e+00 : f32
      %broadcast_in_dim3A_433 = vector.shape_cast %slice3A_400 : vector<16x1xf32> to vector<16x1xf32>
      %broadcast_in_dim3A_434 = vector.broadcast %broadcast_in_dim3A_433 : vector<16x1xf32> to vector<16x256xf32>
      %broadcast_in_dim3A_435 = vector.broadcast %jit3A_432 : f32 to vector<16x256xf32>
      %select_n3A_436 = arith.select %eq3A_413, %broadcast_in_dim3A_434, %broadcast_in_dim3A_435 : vector<16x256xi1>, vector<16x256xf32>
      %add3A_437 = arith.addf %add3A_374, %select_n3A_436 : vector<16x256xf32>
      %min3A_438 = arith.minimumf %min3A_375, %add3A_411 : vector<16x1024xf32>
      %scan3A_439 = arith.constant 3 : i32
      %scan3A_440 = arith.addi %scan3A_246, %scan3A_439 : i32
      %reduce_max3A_441 = arith.constant dense<0xFF800000> : vector<16xf32>
      %reduce_max3A_442 = vector.multi_reduction <maximumf>, %min3A_438, %reduce_max3A_441 [1] : vector<16x1024xf32> to vector<16xf32>
      %broadcast_in_dim3A_443 = vector.shape_cast %reduce_max3A_442 : vector<16xf32> to vector<16x1xf32>
      %eq3A_444 = vector.broadcast %broadcast_in_dim3A_443 : vector<16x1xf32> to vector<16x1024xf32>
      %eq3A_445 = arith.cmpf oeq, %min3A_438, %eq3A_444 : vector<16x1024xf32>
      %jit3A_446 = arith.constant 1024 : i32
      %broadcast_in_dim3A_447 = vector.broadcast %jit3A_446 : i32 to vector<16x1024xi32>
      %select_n3A_448 = arith.select %eq3A_445, %iota3A, %broadcast_in_dim3A_447 : vector<16x1024xi1>, vector<16x1024xi32>
      %reduce_min3A_449 = arith.constant dense<2147483647> : vector<16xi32>
      %reduce_min3A_450 = vector.multi_reduction <minsi>, %select_n3A_448, %reduce_min3A_449 [1] : vector<16x1024xi32> to vector<16xi32>
      %broadcast_in_dim3A_451 = vector.shape_cast %reduce_min3A_450 : vector<16xi32> to vector<16x1xi32>
      %eq3A_452 = vector.broadcast %broadcast_in_dim3A_451 : vector<16x1xi32> to vector<16x1024xi32>
      %eq3A_453 = arith.cmpi eq, %iota3A, %eq3A_452 : vector<16x1024xi32>
      %concatenate3A_454 = tpu.concatenate %eq3A_453, %eq3A_453, %eq3A_453 in 0 : vector<16x1024xi1>, vector<16x1024xi1>, vector<16x1024xi1> -> vector<48x1024xi1>
      %jit3A_455 = arith.constant 0.000000e+00 : f32
      %broadcast_in_dim3A_456 = vector.broadcast %jit3A_455 : f32 to vector<48x1024xf32>
      %select_n3A_457 = arith.select %concatenate3A_454, %concatenate3A, %broadcast_in_dim3A_456 : vector<48x1024xi1>, vector<48x1024xf32>
      %reduce_sum3A_458 = arith.constant dense<0.000000e+00> : vector<48xf32>
      %reduce_sum3A_459 = vector.multi_reduction <add>, %select_n3A_457, %reduce_sum3A_458 [1] : vector<48x1024xf32> to vector<48xf32>
      %broadcast_in_dim3A_460 = vector.shape_cast %reduce_sum3A_459 : vector<48xf32> to vector<48x1xf32>
      %slice3A_461 = vector.extract_strided_slice %broadcast_in_dim3A_460 {offsets = [0, 0], sizes = [16, 1], strides = [1, 1]} : vector<48x1xf32> to vector<16x1xf32>
      %slice3A_462 = vector.extract_strided_slice %broadcast_in_dim3A_460 {offsets = [16, 0], sizes = [16, 1], strides = [1, 1]} : vector<48x1xf32> to vector<16x1xf32>
      %slice3A_463 = vector.extract_strided_slice %broadcast_in_dim3A_460 {offsets = [32, 0], sizes = [16, 1], strides = [1, 1]} : vector<48x1xf32> to vector<16x1xf32>
      %sub3A_464 = vector.broadcast %slice3A_461 : vector<16x1xf32> to vector<16x1024xf32>
      %sub3A_465 = arith.subf %get3A_1, %sub3A_464 : vector<16x1024xf32>
      %integer_pow3A_466 = arith.mulf %sub3A_465, %sub3A_465 : vector<16x1024xf32>
      %sub3A_467 = vector.broadcast %slice3A_462 : vector<16x1xf32> to vector<16x1024xf32>
      %sub3A_468 = arith.subf %get3A_4, %sub3A_467 : vector<16x1024xf32>
      %integer_pow3A_469 = arith.mulf %sub3A_468, %sub3A_468 : vector<16x1024xf32>
      %add3A_470 = arith.addf %integer_pow3A_466, %integer_pow3A_469 : vector<16x1024xf32>
      %sub3A_471 = vector.broadcast %slice3A_463 : vector<16x1xf32> to vector<16x1024xf32>
      %sub3A_472 = arith.subf %get3A_7, %sub3A_471 : vector<16x1024xf32>
      %integer_pow3A_473 = arith.mulf %sub3A_472, %sub3A_472 : vector<16x1024xf32>
      %add3A_474 = arith.addf %add3A_470, %integer_pow3A_473 : vector<16x1024xf32>
      %eq3A_475 = vector.broadcast %scan3A_440 : i32 to vector<16x256xi32>
      %eq3A_476 = arith.cmpi eq, %iota3A_8, %eq3A_475 : vector<16x256xi32>
      %jit3A_477 = arith.constant 0 : i32
      %broadcast_in_dim3A_478 = vector.shape_cast %broadcast_in_dim3A_451 : vector<16x1xi32> to vector<16x1xi32>
      %broadcast_in_dim3A_479 = vector.broadcast %broadcast_in_dim3A_478 : vector<16x1xi32> to vector<16x256xi32>
      %broadcast_in_dim3A_480 = vector.broadcast %jit3A_477 : i32 to vector<16x256xi32>
      %select_n3A_481 = arith.select %eq3A_476, %broadcast_in_dim3A_479, %broadcast_in_dim3A_480 : vector<16x256xi1>, vector<16x256xi32>
      %add3A_482 = arith.addi %add3A_419, %select_n3A_481 : vector<16x256xi32>
      %jit3A_483 = arith.constant 0.000000e+00 : f32
      %broadcast_in_dim3A_484 = vector.shape_cast %slice3A_461 : vector<16x1xf32> to vector<16x1xf32>
      %broadcast_in_dim3A_485 = vector.broadcast %broadcast_in_dim3A_484 : vector<16x1xf32> to vector<16x256xf32>
      %broadcast_in_dim3A_486 = vector.broadcast %jit3A_483 : f32 to vector<16x256xf32>
      %select_n3A_487 = arith.select %eq3A_476, %broadcast_in_dim3A_485, %broadcast_in_dim3A_486 : vector<16x256xi1>, vector<16x256xf32>
      %add3A_488 = arith.addf %add3A_425, %select_n3A_487 : vector<16x256xf32>
      %jit3A_489 = arith.constant 0.000000e+00 : f32
      %broadcast_in_dim3A_490 = vector.shape_cast %slice3A_462 : vector<16x1xf32> to vector<16x1xf32>
      %broadcast_in_dim3A_491 = vector.broadcast %broadcast_in_dim3A_490 : vector<16x1xf32> to vector<16x256xf32>
      %broadcast_in_dim3A_492 = vector.broadcast %jit3A_489 : f32 to vector<16x256xf32>
      %select_n3A_493 = arith.select %eq3A_476, %broadcast_in_dim3A_491, %broadcast_in_dim3A_492 : vector<16x256xi1>, vector<16x256xf32>
      %add3A_494 = arith.addf %add3A_431, %select_n3A_493 : vector<16x256xf32>
      %jit3A_495 = arith.constant 0.000000e+00 : f32
      %broadcast_in_dim3A_496 = vector.shape_cast %slice3A_463 : vector<16x1xf32> to vector<16x1xf32>
      %broadcast_in_dim3A_497 = vector.broadcast %broadcast_in_dim3A_496 : vector<16x1xf32> to vector<16x256xf32>
      %broadcast_in_dim3A_498 = vector.broadcast %jit3A_495 : f32 to vector<16x256xf32>
      %select_n3A_499 = arith.select %eq3A_476, %broadcast_in_dim3A_497, %broadcast_in_dim3A_498 : vector<16x256xi1>, vector<16x256xf32>
      %add3A_500 = arith.addf %add3A_437, %select_n3A_499 : vector<16x256xf32>
      %min3A_501 = arith.minimumf %min3A_438, %add3A_474 : vector<16x1024xf32>
      scf.yield %min3A_501, %add3A_482, %add3A_488, %add3A_494, %add3A_500 : vector<16x1024xf32>, vector<16x256xi32>, vector<16x256xf32>, vector<16x256xf32>, vector<16x256xf32>
    }
    %scan3A_42 = arith.constant 252 : i32
    %scan3A_43 = arith.addi %scan3A, %scan3A_42 : i32
    %reduce_max3A = arith.constant dense<0xFF800000> : vector<16xf32>
    %reduce_max3A_44 = vector.multi_reduction <maximumf>, %scan3A_41#0, %reduce_max3A [1] : vector<16x1024xf32> to vector<16xf32>
    %broadcast_in_dim3A_45 = vector.shape_cast %reduce_max3A_44 : vector<16xf32> to vector<16x1xf32>
    %eq3A_46 = vector.broadcast %broadcast_in_dim3A_45 : vector<16x1xf32> to vector<16x1024xf32>
    %eq3A_47 = arith.cmpf oeq, %scan3A_41#0, %eq3A_46 : vector<16x1024xf32>
    %jit3A_48 = arith.constant 1024 : i32
    %broadcast_in_dim3A_49 = vector.broadcast %jit3A_48 : i32 to vector<16x1024xi32>
    %select_n3A_50 = arith.select %eq3A_47, %iota3A, %broadcast_in_dim3A_49 : vector<16x1024xi1>, vector<16x1024xi32>
    %reduce_min3A = arith.constant dense<2147483647> : vector<16xi32>
    %reduce_min3A_51 = vector.multi_reduction <minsi>, %select_n3A_50, %reduce_min3A [1] : vector<16x1024xi32> to vector<16xi32>
    %broadcast_in_dim3A_52 = vector.shape_cast %reduce_min3A_51 : vector<16xi32> to vector<16x1xi32>
    %eq3A_53 = vector.broadcast %broadcast_in_dim3A_52 : vector<16x1xi32> to vector<16x1024xi32>
    %eq3A_54 = arith.cmpi eq, %iota3A, %eq3A_53 : vector<16x1024xi32>
    %concatenate3A_55 = tpu.concatenate %eq3A_54, %eq3A_54, %eq3A_54 in 0 : vector<16x1024xi1>, vector<16x1024xi1>, vector<16x1024xi1> -> vector<48x1024xi1>
    %jit3A_56 = arith.constant 0.000000e+00 : f32
    %broadcast_in_dim3A_57 = vector.broadcast %jit3A_56 : f32 to vector<48x1024xf32>
    %select_n3A_58 = arith.select %concatenate3A_55, %concatenate3A, %broadcast_in_dim3A_57 : vector<48x1024xi1>, vector<48x1024xf32>
    %reduce_sum3A = arith.constant dense<0.000000e+00> : vector<48xf32>
    %reduce_sum3A_59 = vector.multi_reduction <add>, %select_n3A_58, %reduce_sum3A [1] : vector<48x1024xf32> to vector<48xf32>
    %broadcast_in_dim3A_60 = vector.shape_cast %reduce_sum3A_59 : vector<48xf32> to vector<48x1xf32>
    %slice3A_61 = vector.extract_strided_slice %broadcast_in_dim3A_60 {offsets = [0, 0], sizes = [16, 1], strides = [1, 1]} : vector<48x1xf32> to vector<16x1xf32>
    %slice3A_62 = vector.extract_strided_slice %broadcast_in_dim3A_60 {offsets = [16, 0], sizes = [16, 1], strides = [1, 1]} : vector<48x1xf32> to vector<16x1xf32>
    %slice3A_63 = vector.extract_strided_slice %broadcast_in_dim3A_60 {offsets = [32, 0], sizes = [16, 1], strides = [1, 1]} : vector<48x1xf32> to vector<16x1xf32>
    %sub3A_64 = vector.broadcast %slice3A_61 : vector<16x1xf32> to vector<16x1024xf32>
    %sub3A_65 = arith.subf %get3A_1, %sub3A_64 : vector<16x1024xf32>
    %integer_pow3A_66 = arith.mulf %sub3A_65, %sub3A_65 : vector<16x1024xf32>
    %sub3A_67 = vector.broadcast %slice3A_62 : vector<16x1xf32> to vector<16x1024xf32>
    %sub3A_68 = arith.subf %get3A_4, %sub3A_67 : vector<16x1024xf32>
    %integer_pow3A_69 = arith.mulf %sub3A_68, %sub3A_68 : vector<16x1024xf32>
    %add3A_70 = arith.addf %integer_pow3A_66, %integer_pow3A_69 : vector<16x1024xf32>
    %sub3A_71 = vector.broadcast %slice3A_63 : vector<16x1xf32> to vector<16x1024xf32>
    %sub3A_72 = arith.subf %get3A_7, %sub3A_71 : vector<16x1024xf32>
    %integer_pow3A_73 = arith.mulf %sub3A_72, %sub3A_72 : vector<16x1024xf32>
    %add3A_74 = arith.addf %add3A_70, %integer_pow3A_73 : vector<16x1024xf32>
    %eq3A_75 = vector.broadcast %scan3A_43 : i32 to vector<16x256xi32>
    %eq3A_76 = arith.cmpi eq, %iota3A_8, %eq3A_75 : vector<16x256xi32>
    %jit3A_77 = arith.constant 0 : i32
    %broadcast_in_dim3A_78 = vector.shape_cast %broadcast_in_dim3A_52 : vector<16x1xi32> to vector<16x1xi32>
    %broadcast_in_dim3A_79 = vector.broadcast %broadcast_in_dim3A_78 : vector<16x1xi32> to vector<16x256xi32>
    %broadcast_in_dim3A_80 = vector.broadcast %jit3A_77 : i32 to vector<16x256xi32>
    %select_n3A_81 = arith.select %eq3A_76, %broadcast_in_dim3A_79, %broadcast_in_dim3A_80 : vector<16x256xi1>, vector<16x256xi32>
    %add3A_82 = arith.addi %scan3A_41#1, %select_n3A_81 : vector<16x256xi32>
    %jit3A_83 = arith.constant 0.000000e+00 : f32
    %broadcast_in_dim3A_84 = vector.shape_cast %slice3A_61 : vector<16x1xf32> to vector<16x1xf32>
    %broadcast_in_dim3A_85 = vector.broadcast %broadcast_in_dim3A_84 : vector<16x1xf32> to vector<16x256xf32>
    %broadcast_in_dim3A_86 = vector.broadcast %jit3A_83 : f32 to vector<16x256xf32>
    %select_n3A_87 = arith.select %eq3A_76, %broadcast_in_dim3A_85, %broadcast_in_dim3A_86 : vector<16x256xi1>, vector<16x256xf32>
    %add3A_88 = arith.addf %scan3A_41#2, %select_n3A_87 : vector<16x256xf32>
    %jit3A_89 = arith.constant 0.000000e+00 : f32
    %broadcast_in_dim3A_90 = vector.shape_cast %slice3A_62 : vector<16x1xf32> to vector<16x1xf32>
    %broadcast_in_dim3A_91 = vector.broadcast %broadcast_in_dim3A_90 : vector<16x1xf32> to vector<16x256xf32>
    %broadcast_in_dim3A_92 = vector.broadcast %jit3A_89 : f32 to vector<16x256xf32>
    %select_n3A_93 = arith.select %eq3A_76, %broadcast_in_dim3A_91, %broadcast_in_dim3A_92 : vector<16x256xi1>, vector<16x256xf32>
    %add3A_94 = arith.addf %scan3A_41#3, %select_n3A_93 : vector<16x256xf32>
    %jit3A_95 = arith.constant 0.000000e+00 : f32
    %broadcast_in_dim3A_96 = vector.shape_cast %slice3A_63 : vector<16x1xf32> to vector<16x1xf32>
    %broadcast_in_dim3A_97 = vector.broadcast %broadcast_in_dim3A_96 : vector<16x1xf32> to vector<16x256xf32>
    %broadcast_in_dim3A_98 = vector.broadcast %jit3A_95 : f32 to vector<16x256xf32>
    %select_n3A_99 = arith.select %eq3A_76, %broadcast_in_dim3A_97, %broadcast_in_dim3A_98 : vector<16x256xi1>, vector<16x256xf32>
    %add3A_100 = arith.addf %scan3A_41#4, %select_n3A_99 : vector<16x256xf32>
    %min3A = arith.minimumf %scan3A_41#0, %add3A_74 : vector<16x1024xf32>
    %scan3A_101 = arith.constant 253 : i32
    %scan3A_102 = arith.addi %scan3A, %scan3A_101 : i32
    %reduce_max3A_103 = arith.constant dense<0xFF800000> : vector<16xf32>
    %reduce_max3A_104 = vector.multi_reduction <maximumf>, %min3A, %reduce_max3A_103 [1] : vector<16x1024xf32> to vector<16xf32>
    %broadcast_in_dim3A_105 = vector.shape_cast %reduce_max3A_104 : vector<16xf32> to vector<16x1xf32>
    %eq3A_106 = vector.broadcast %broadcast_in_dim3A_105 : vector<16x1xf32> to vector<16x1024xf32>
    %eq3A_107 = arith.cmpf oeq, %min3A, %eq3A_106 : vector<16x1024xf32>
    %jit3A_108 = arith.constant 1024 : i32
    %broadcast_in_dim3A_109 = vector.broadcast %jit3A_108 : i32 to vector<16x1024xi32>
    %select_n3A_110 = arith.select %eq3A_107, %iota3A, %broadcast_in_dim3A_109 : vector<16x1024xi1>, vector<16x1024xi32>
    %reduce_min3A_111 = arith.constant dense<2147483647> : vector<16xi32>
    %reduce_min3A_112 = vector.multi_reduction <minsi>, %select_n3A_110, %reduce_min3A_111 [1] : vector<16x1024xi32> to vector<16xi32>
    %broadcast_in_dim3A_113 = vector.shape_cast %reduce_min3A_112 : vector<16xi32> to vector<16x1xi32>
    %eq3A_114 = vector.broadcast %broadcast_in_dim3A_113 : vector<16x1xi32> to vector<16x1024xi32>
    %eq3A_115 = arith.cmpi eq, %iota3A, %eq3A_114 : vector<16x1024xi32>
    %concatenate3A_116 = tpu.concatenate %eq3A_115, %eq3A_115, %eq3A_115 in 0 : vector<16x1024xi1>, vector<16x1024xi1>, vector<16x1024xi1> -> vector<48x1024xi1>
    %jit3A_117 = arith.constant 0.000000e+00 : f32
    %broadcast_in_dim3A_118 = vector.broadcast %jit3A_117 : f32 to vector<48x1024xf32>
    %select_n3A_119 = arith.select %concatenate3A_116, %concatenate3A, %broadcast_in_dim3A_118 : vector<48x1024xi1>, vector<48x1024xf32>
    %reduce_sum3A_120 = arith.constant dense<0.000000e+00> : vector<48xf32>
    %reduce_sum3A_121 = vector.multi_reduction <add>, %select_n3A_119, %reduce_sum3A_120 [1] : vector<48x1024xf32> to vector<48xf32>
    %broadcast_in_dim3A_122 = vector.shape_cast %reduce_sum3A_121 : vector<48xf32> to vector<48x1xf32>
    %slice3A_123 = vector.extract_strided_slice %broadcast_in_dim3A_122 {offsets = [0, 0], sizes = [16, 1], strides = [1, 1]} : vector<48x1xf32> to vector<16x1xf32>
    %slice3A_124 = vector.extract_strided_slice %broadcast_in_dim3A_122 {offsets = [16, 0], sizes = [16, 1], strides = [1, 1]} : vector<48x1xf32> to vector<16x1xf32>
    %slice3A_125 = vector.extract_strided_slice %broadcast_in_dim3A_122 {offsets = [32, 0], sizes = [16, 1], strides = [1, 1]} : vector<48x1xf32> to vector<16x1xf32>
    %sub3A_126 = vector.broadcast %slice3A_123 : vector<16x1xf32> to vector<16x1024xf32>
    %sub3A_127 = arith.subf %get3A_1, %sub3A_126 : vector<16x1024xf32>
    %integer_pow3A_128 = arith.mulf %sub3A_127, %sub3A_127 : vector<16x1024xf32>
    %sub3A_129 = vector.broadcast %slice3A_124 : vector<16x1xf32> to vector<16x1024xf32>
    %sub3A_130 = arith.subf %get3A_4, %sub3A_129 : vector<16x1024xf32>
    %integer_pow3A_131 = arith.mulf %sub3A_130, %sub3A_130 : vector<16x1024xf32>
    %add3A_132 = arith.addf %integer_pow3A_128, %integer_pow3A_131 : vector<16x1024xf32>
    %sub3A_133 = vector.broadcast %slice3A_125 : vector<16x1xf32> to vector<16x1024xf32>
    %sub3A_134 = arith.subf %get3A_7, %sub3A_133 : vector<16x1024xf32>
    %integer_pow3A_135 = arith.mulf %sub3A_134, %sub3A_134 : vector<16x1024xf32>
    %add3A_136 = arith.addf %add3A_132, %integer_pow3A_135 : vector<16x1024xf32>
    %eq3A_137 = vector.broadcast %scan3A_102 : i32 to vector<16x256xi32>
    %eq3A_138 = arith.cmpi eq, %iota3A_8, %eq3A_137 : vector<16x256xi32>
    %jit3A_139 = arith.constant 0 : i32
    %broadcast_in_dim3A_140 = vector.shape_cast %broadcast_in_dim3A_113 : vector<16x1xi32> to vector<16x1xi32>
    %broadcast_in_dim3A_141 = vector.broadcast %broadcast_in_dim3A_140 : vector<16x1xi32> to vector<16x256xi32>
    %broadcast_in_dim3A_142 = vector.broadcast %jit3A_139 : i32 to vector<16x256xi32>
    %select_n3A_143 = arith.select %eq3A_138, %broadcast_in_dim3A_141, %broadcast_in_dim3A_142 : vector<16x256xi1>, vector<16x256xi32>
    %add3A_144 = arith.addi %add3A_82, %select_n3A_143 : vector<16x256xi32>
    %jit3A_145 = arith.constant 0.000000e+00 : f32
    %broadcast_in_dim3A_146 = vector.shape_cast %slice3A_123 : vector<16x1xf32> to vector<16x1xf32>
    %broadcast_in_dim3A_147 = vector.broadcast %broadcast_in_dim3A_146 : vector<16x1xf32> to vector<16x256xf32>
    %broadcast_in_dim3A_148 = vector.broadcast %jit3A_145 : f32 to vector<16x256xf32>
    %select_n3A_149 = arith.select %eq3A_138, %broadcast_in_dim3A_147, %broadcast_in_dim3A_148 : vector<16x256xi1>, vector<16x256xf32>
    %add3A_150 = arith.addf %add3A_88, %select_n3A_149 : vector<16x256xf32>
    %jit3A_151 = arith.constant 0.000000e+00 : f32
    %broadcast_in_dim3A_152 = vector.shape_cast %slice3A_124 : vector<16x1xf32> to vector<16x1xf32>
    %broadcast_in_dim3A_153 = vector.broadcast %broadcast_in_dim3A_152 : vector<16x1xf32> to vector<16x256xf32>
    %broadcast_in_dim3A_154 = vector.broadcast %jit3A_151 : f32 to vector<16x256xf32>
    %select_n3A_155 = arith.select %eq3A_138, %broadcast_in_dim3A_153, %broadcast_in_dim3A_154 : vector<16x256xi1>, vector<16x256xf32>
    %add3A_156 = arith.addf %add3A_94, %select_n3A_155 : vector<16x256xf32>
    %jit3A_157 = arith.constant 0.000000e+00 : f32
    %broadcast_in_dim3A_158 = vector.shape_cast %slice3A_125 : vector<16x1xf32> to vector<16x1xf32>
    %broadcast_in_dim3A_159 = vector.broadcast %broadcast_in_dim3A_158 : vector<16x1xf32> to vector<16x256xf32>
    %broadcast_in_dim3A_160 = vector.broadcast %jit3A_157 : f32 to vector<16x256xf32>
    %select_n3A_161 = arith.select %eq3A_138, %broadcast_in_dim3A_159, %broadcast_in_dim3A_160 : vector<16x256xi1>, vector<16x256xf32>
    %add3A_162 = arith.addf %add3A_100, %select_n3A_161 : vector<16x256xf32>
    %min3A_163 = arith.minimumf %min3A, %add3A_136 : vector<16x1024xf32>
    %scan3A_164 = arith.constant 254 : i32
    %scan3A_165 = arith.addi %scan3A, %scan3A_164 : i32
    %reduce_max3A_166 = arith.constant dense<0xFF800000> : vector<16xf32>
    %reduce_max3A_167 = vector.multi_reduction <maximumf>, %min3A_163, %reduce_max3A_166 [1] : vector<16x1024xf32> to vector<16xf32>
    %broadcast_in_dim3A_168 = vector.shape_cast %reduce_max3A_167 : vector<16xf32> to vector<16x1xf32>
    %eq3A_169 = vector.broadcast %broadcast_in_dim3A_168 : vector<16x1xf32> to vector<16x1024xf32>
    %eq3A_170 = arith.cmpf oeq, %min3A_163, %eq3A_169 : vector<16x1024xf32>
    %jit3A_171 = arith.constant 1024 : i32
    %broadcast_in_dim3A_172 = vector.broadcast %jit3A_171 : i32 to vector<16x1024xi32>
    %select_n3A_173 = arith.select %eq3A_170, %iota3A, %broadcast_in_dim3A_172 : vector<16x1024xi1>, vector<16x1024xi32>
    %reduce_min3A_174 = arith.constant dense<2147483647> : vector<16xi32>
    %reduce_min3A_175 = vector.multi_reduction <minsi>, %select_n3A_173, %reduce_min3A_174 [1] : vector<16x1024xi32> to vector<16xi32>
    %broadcast_in_dim3A_176 = vector.shape_cast %reduce_min3A_175 : vector<16xi32> to vector<16x1xi32>
    %eq3A_177 = vector.broadcast %broadcast_in_dim3A_176 : vector<16x1xi32> to vector<16x1024xi32>
    %eq3A_178 = arith.cmpi eq, %iota3A, %eq3A_177 : vector<16x1024xi32>
    %concatenate3A_179 = tpu.concatenate %eq3A_178, %eq3A_178, %eq3A_178 in 0 : vector<16x1024xi1>, vector<16x1024xi1>, vector<16x1024xi1> -> vector<48x1024xi1>
    %jit3A_180 = arith.constant 0.000000e+00 : f32
    %broadcast_in_dim3A_181 = vector.broadcast %jit3A_180 : f32 to vector<48x1024xf32>
    %select_n3A_182 = arith.select %concatenate3A_179, %concatenate3A, %broadcast_in_dim3A_181 : vector<48x1024xi1>, vector<48x1024xf32>
    %reduce_sum3A_183 = arith.constant dense<0.000000e+00> : vector<48xf32>
    %reduce_sum3A_184 = vector.multi_reduction <add>, %select_n3A_182, %reduce_sum3A_183 [1] : vector<48x1024xf32> to vector<48xf32>
    %broadcast_in_dim3A_185 = vector.shape_cast %reduce_sum3A_184 : vector<48xf32> to vector<48x1xf32>
    %slice3A_186 = vector.extract_strided_slice %broadcast_in_dim3A_185 {offsets = [0, 0], sizes = [16, 1], strides = [1, 1]} : vector<48x1xf32> to vector<16x1xf32>
    %slice3A_187 = vector.extract_strided_slice %broadcast_in_dim3A_185 {offsets = [16, 0], sizes = [16, 1], strides = [1, 1]} : vector<48x1xf32> to vector<16x1xf32>
    %slice3A_188 = vector.extract_strided_slice %broadcast_in_dim3A_185 {offsets = [32, 0], sizes = [16, 1], strides = [1, 1]} : vector<48x1xf32> to vector<16x1xf32>
    %sub3A_189 = vector.broadcast %slice3A_186 : vector<16x1xf32> to vector<16x1024xf32>
    %sub3A_190 = arith.subf %get3A_1, %sub3A_189 : vector<16x1024xf32>
    %integer_pow3A_191 = arith.mulf %sub3A_190, %sub3A_190 : vector<16x1024xf32>
    %sub3A_192 = vector.broadcast %slice3A_187 : vector<16x1xf32> to vector<16x1024xf32>
    %sub3A_193 = arith.subf %get3A_4, %sub3A_192 : vector<16x1024xf32>
    %integer_pow3A_194 = arith.mulf %sub3A_193, %sub3A_193 : vector<16x1024xf32>
    %add3A_195 = arith.addf %integer_pow3A_191, %integer_pow3A_194 : vector<16x1024xf32>
    %sub3A_196 = vector.broadcast %slice3A_188 : vector<16x1xf32> to vector<16x1024xf32>
    %sub3A_197 = arith.subf %get3A_7, %sub3A_196 : vector<16x1024xf32>
    %integer_pow3A_198 = arith.mulf %sub3A_197, %sub3A_197 : vector<16x1024xf32>
    %add3A_199 = arith.addf %add3A_195, %integer_pow3A_198 : vector<16x1024xf32>
    %eq3A_200 = vector.broadcast %scan3A_165 : i32 to vector<16x256xi32>
    %eq3A_201 = arith.cmpi eq, %iota3A_8, %eq3A_200 : vector<16x256xi32>
    %jit3A_202 = arith.constant 0 : i32
    %broadcast_in_dim3A_203 = vector.shape_cast %broadcast_in_dim3A_176 : vector<16x1xi32> to vector<16x1xi32>
    %broadcast_in_dim3A_204 = vector.broadcast %broadcast_in_dim3A_203 : vector<16x1xi32> to vector<16x256xi32>
    %broadcast_in_dim3A_205 = vector.broadcast %jit3A_202 : i32 to vector<16x256xi32>
    %select_n3A_206 = arith.select %eq3A_201, %broadcast_in_dim3A_204, %broadcast_in_dim3A_205 : vector<16x256xi1>, vector<16x256xi32>
    %add3A_207 = arith.addi %add3A_144, %select_n3A_206 : vector<16x256xi32>
    %jit3A_208 = arith.constant 0.000000e+00 : f32
    %broadcast_in_dim3A_209 = vector.shape_cast %slice3A_186 : vector<16x1xf32> to vector<16x1xf32>
    %broadcast_in_dim3A_210 = vector.broadcast %broadcast_in_dim3A_209 : vector<16x1xf32> to vector<16x256xf32>
    %broadcast_in_dim3A_211 = vector.broadcast %jit3A_208 : f32 to vector<16x256xf32>
    %select_n3A_212 = arith.select %eq3A_201, %broadcast_in_dim3A_210, %broadcast_in_dim3A_211 : vector<16x256xi1>, vector<16x256xf32>
    %add3A_213 = arith.addf %add3A_150, %select_n3A_212 : vector<16x256xf32>
    %jit3A_214 = arith.constant 0.000000e+00 : f32
    %broadcast_in_dim3A_215 = vector.shape_cast %slice3A_187 : vector<16x1xf32> to vector<16x1xf32>
    %broadcast_in_dim3A_216 = vector.broadcast %broadcast_in_dim3A_215 : vector<16x1xf32> to vector<16x256xf32>
    %broadcast_in_dim3A_217 = vector.broadcast %jit3A_214 : f32 to vector<16x256xf32>
    %select_n3A_218 = arith.select %eq3A_201, %broadcast_in_dim3A_216, %broadcast_in_dim3A_217 : vector<16x256xi1>, vector<16x256xf32>
    %add3A_219 = arith.addf %add3A_156, %select_n3A_218 : vector<16x256xf32>
    %jit3A_220 = arith.constant 0.000000e+00 : f32
    %broadcast_in_dim3A_221 = vector.shape_cast %slice3A_188 : vector<16x1xf32> to vector<16x1xf32>
    %broadcast_in_dim3A_222 = vector.broadcast %broadcast_in_dim3A_221 : vector<16x1xf32> to vector<16x256xf32>
    %broadcast_in_dim3A_223 = vector.broadcast %jit3A_220 : f32 to vector<16x256xf32>
    %select_n3A_224 = arith.select %eq3A_201, %broadcast_in_dim3A_222, %broadcast_in_dim3A_223 : vector<16x256xi1>, vector<16x256xf32>
    %add3A_225 = arith.addf %add3A_162, %select_n3A_224 : vector<16x256xf32>
    %min3A_226 = arith.minimumf %min3A_163, %add3A_199 : vector<16x1024xf32>
    %scan3A_227 = arith.constant 255 : i32
    %reshape3A = vector.shape_cast %add3A_207 : vector<16x256xi32> to vector<16x256x1xi32>
    %swap3A = arith.constant 0 : index
    %swap3A_228 = arith.constant 0 : index
    %swap3A_229 = arith.constant 0 : index
    %swap3A_230 = vector.load %arg3[%swap3A, %swap3A_228, %swap3A_229] : memref<16x256x1xi32, #tpu.memory_space<vmem>>, vector<16x256x1xi32>
    tpu.vector_store %arg3[%swap3A, %swap3A_228, %swap3A_229], %reshape3A {strides = array<i32>} : memref<16x256x1xi32, #tpu.memory_space<vmem>>, vector<16x256x1xi32>,
    %reshape3A_231 = vector.shape_cast %add3A_213 : vector<16x256xf32> to vector<16x256x1xf32>
    %swap3A_232 = arith.constant 0 : index
    %swap3A_233 = arith.constant 0 : index
    %swap3A_234 = arith.constant 0 : index
    %swap3A_235 = vector.load %arg4[%swap3A_232, %swap3A_233, %swap3A_234] : memref<16x256x1xf32, #tpu.memory_space<vmem>>, vector<16x256x1xf32>
    tpu.vector_store %arg4[%swap3A_232, %swap3A_233, %swap3A_234], %reshape3A_231 {strides = array<i32>} : memref<16x256x1xf32, #tpu.memory_space<vmem>>, vector<16x256x1xf32>,
    %reshape3A_236 = vector.shape_cast %add3A_219 : vector<16x256xf32> to vector<16x256x1xf32>
    %swap3A_237 = arith.constant 0 : index
    %swap3A_238 = arith.constant 0 : index
    %swap3A_239 = arith.constant 0 : index
    %swap3A_240 = vector.load %arg5[%swap3A_237, %swap3A_238, %swap3A_239] : memref<16x256x1xf32, #tpu.memory_space<vmem>>, vector<16x256x1xf32>
    tpu.vector_store %arg5[%swap3A_237, %swap3A_238, %swap3A_239], %reshape3A_236 {strides = array<i32>} : memref<16x256x1xf32, #tpu.memory_space<vmem>>, vector<16x256x1xf32>,
    %reshape3A_241 = vector.shape_cast %add3A_225 : vector<16x256xf32> to vector<16x256x1xf32>
    %swap3A_242 = arith.constant 0 : index
    %swap3A_243 = arith.constant 0 : index
    %swap3A_244 = arith.constant 0 : index
    %swap3A_245 = vector.load %arg6[%swap3A_242, %swap3A_243, %swap3A_244] : memref<16x256x1xf32, #tpu.memory_space<vmem>>, vector<16x256x1xf32>
    tpu.vector_store %arg6[%swap3A_242, %swap3A_243, %swap3A_244], %reshape3A_241 {strides = array<i32>} : memref<16x256x1xf32, #tpu.memory_space<vmem>>, vector<16x256x1xf32>,
    return
  }
}

module attributes {stable_mosaic.version = 14 : i64} {
  func.func @_main_body(%arg0: i32, %arg1: i32, %arg2: memref<1x1024x128xf32, #tpu.memory_space<vmem>>, %arg3: memref<1x1024x3xf32, #tpu.memory_space<vmem>>, %arg4: memref<1x1x1024xf32, #tpu.memory_space<vmem>>, %arg5: memref<1x1x1024xf32, #tpu.memory_space<vmem>>, %arg6: memref<1x1x1024xf32, #tpu.memory_space<vmem>>, %arg7: memref<1x128x1xf32, #tpu.memory_space<vmem>>, %arg8: memref<1x128x1xf32, #tpu.memory_space<vmem>>, %arg9: memref<1x128x1xf32, #tpu.memory_space<vmem>>, %arg10: memref<131x128xf32, #tpu.memory_space<vmem>>, %arg11: memref<1x128xf32, #tpu.memory_space<vmem>>, %arg12: memref<128x256xf32, #tpu.memory_space<vmem>>, %arg13: memref<1x256xf32, #tpu.memory_space<vmem>>, %arg14: memref<1x128x256xf32, #tpu.memory_space<vmem>>, %arg15: memref<1024x128xf32, #tpu.memory_space<vmem>>) attributes {dimension_semantics = [#tpu.dimension_semantics<arbitrary>, #tpu.dimension_semantics<arbitrary>], iteration_bounds = array<i64: 16, 2>, scalar_prefetch = 0 : i64, scratch_operands = 1 : i64, tpu.core_type = #tpu.core_type<tc>, window_params = [{transform_indices = @transform_0, window_bounds = array<i64: 1, 1024, 128>}, {transform_indices = @transform_1, window_bounds = array<i64: 1, 1024, 3>}, {transform_indices = @transform_2, window_bounds = array<i64: 1, 1, 1024>}, {transform_indices = @transform_3, window_bounds = array<i64: 1, 1, 1024>}, {transform_indices = @transform_4, window_bounds = array<i64: 1, 1, 1024>}, {transform_indices = @transform_5, window_bounds = array<i64: 1, 128, 1>}, {transform_indices = @transform_6, window_bounds = array<i64: 1, 128, 1>}, {transform_indices = @transform_7, window_bounds = array<i64: 1, 128, 1>}, {pipeline_mode = #tpu.pipeline_mode<synchronous>, transform_indices = @transform_8, window_bounds = array<i64: 131, 128>}, {pipeline_mode = #tpu.pipeline_mode<synchronous>, transform_indices = @transform_9, window_bounds = array<i64: 1, 128>}, {pipeline_mode = #tpu.pipeline_mode<synchronous>, transform_indices = @transform_10, window_bounds = array<i64: 128, 256>}, {pipeline_mode = #tpu.pipeline_mode<synchronous>, transform_indices = @transform_11, window_bounds = array<i64: 1, 256>}, {transform_indices = @transform_12, window_bounds = array<i64: 1, 128, 256>}]} {
    %eq3A = arith.constant 0 : i32
    %eq3A_0 = arith.cmpi eq, %arg1, %eq3A : i32
    %convert_element_type3A = arith.extui %eq3A_0 : i1 to i32
    %cond3A = arith.constant 0 : i32
    %cond3A_1 = arith.cmpi ne, %convert_element_type3A, %cond3A : i32
    scf.if %cond3A_1 {
      %get3A_170 = arith.constant 0 : index
      %get3A_171 = arith.constant 0 : index
      %get3A_172 = arith.constant 0 : index
      %get3A_173 = vector.load %arg2[%get3A_170, %get3A_171, %get3A_172] : memref<1x1024x128xf32, #tpu.memory_space<vmem>>, vector<1x1024x128xf32>
      %get3A_174 = vector.shape_cast %get3A_173 : vector<1x1024x128xf32> to vector<1024x128xf32>
      %get3A_175 = arith.constant 0 : index
      %get3A_176 = arith.constant 0 : index
      %get3A_177 = vector.load %arg10[%get3A_175, %get3A_176] : memref<131x128xf32, #tpu.memory_space<vmem>>, vector<128x128xf32>
      %dot_general3A_178 = arith.constant dense<0.000000e+00> : vector<1024x128xf32>
      %dot_general3A_179 = tpu.matmul %get3A_174, %get3A_177, %dot_general3A_178 {dimension_numbers = #tpu.dot_dimension_numbers<[1], [0], [0], [1], [0, 0, 1, 1], [], []>, transpose_lhs_hint = false} : vector<1024x128xf32>, vector<128x128xf32>, vector<1024x128xf32> -> vector<1024x128xf32>
      %get3A_180 = arith.constant 0 : index
      %get3A_181 = arith.constant 0 : index
      %get3A_182 = arith.constant 0 : index
      %get3A_183 = vector.load %arg3[%get3A_180, %get3A_181, %get3A_182] : memref<1x1024x3xf32, #tpu.memory_space<vmem>>, vector<1x1024x3xf32>
      %get3A_184 = vector.shape_cast %get3A_183 : vector<1x1024x3xf32> to vector<1024x3xf32>
      %slice3A_185 = vector.extract_strided_slice %get3A_184 {offsets = [0, 0], sizes = [1024, 1], strides = [1, 1]} : vector<1024x3xf32> to vector<1024x1xf32>
      %get3A_186 = arith.constant 128 : index
      %get3A_187 = arith.constant 0 : index
      %get3A_188 = vector.load %arg10[%get3A_186, %get3A_187] : memref<131x128xf32, #tpu.memory_space<vmem>>, vector<1x128xf32>
      %mul3A_189 = vector.broadcast %slice3A_185 : vector<1024x1xf32> to vector<1024x128xf32>
      %mul3A_190 = vector.broadcast %get3A_188 : vector<1x128xf32> to vector<1024x128xf32>
      %mul3A_191 = arith.mulf %mul3A_189, %mul3A_190 : vector<1024x128xf32>
      %add3A_192 = arith.addf %dot_general3A_179, %mul3A_191 : vector<1024x128xf32>
      %slice3A_193 = vector.extract_strided_slice %get3A_184 {offsets = [0, 1], sizes = [1024, 1], strides = [1, 1]} : vector<1024x3xf32> to vector<1024x1xf32>
      %get3A_194 = arith.constant 129 : index
      %get3A_195 = arith.constant 0 : index
      %get3A_196 = vector.load %arg10[%get3A_194, %get3A_195] : memref<131x128xf32, #tpu.memory_space<vmem>>, vector<1x128xf32>
      %mul3A_197 = vector.broadcast %slice3A_193 : vector<1024x1xf32> to vector<1024x128xf32>
      %mul3A_198 = vector.broadcast %get3A_196 : vector<1x128xf32> to vector<1024x128xf32>
      %mul3A_199 = arith.mulf %mul3A_197, %mul3A_198 : vector<1024x128xf32>
      %add3A_200 = arith.addf %add3A_192, %mul3A_199 : vector<1024x128xf32>
      %slice3A_201 = vector.extract_strided_slice %get3A_184 {offsets = [0, 2], sizes = [1024, 1], strides = [1, 1]} : vector<1024x3xf32> to vector<1024x1xf32>
      %get3A_202 = arith.constant 130 : index
      %get3A_203 = arith.constant 0 : index
      %get3A_204 = vector.load %arg10[%get3A_202, %get3A_203] : memref<131x128xf32, #tpu.memory_space<vmem>>, vector<1x128xf32>
      %mul3A_205 = vector.broadcast %slice3A_201 : vector<1024x1xf32> to vector<1024x128xf32>
      %mul3A_206 = vector.broadcast %get3A_204 : vector<1x128xf32> to vector<1024x128xf32>
      %mul3A_207 = arith.mulf %mul3A_205, %mul3A_206 : vector<1024x128xf32>
      %add3A_208 = arith.addf %add3A_200, %mul3A_207 : vector<1024x128xf32>
      %swap3A_209 = arith.constant 0 : index
      %swap3A_210 = arith.constant 0 : index
      %swap3A_211 = vector.load %arg15[%swap3A_209, %swap3A_210] : memref<1024x128xf32, #tpu.memory_space<vmem>>, vector<1024x128xf32>
      tpu.vector_store %arg15[%swap3A_209, %swap3A_210], %add3A_208 {strides = array<i32>} : memref<1024x128xf32, #tpu.memory_space<vmem>>, vector<1024x128xf32>,
    } else {
    }
    %get3A = arith.constant 0 : index
    %get3A_2 = arith.constant 0 : index
    %get3A_3 = arith.constant 0 : index
    %get3A_4 = vector.load %arg4[%get3A, %get3A_2, %get3A_3] : memref<1x1x1024xf32, #tpu.memory_space<vmem>>, vector<1x1x1024xf32>
    %get3A_5 = vector.shape_cast %get3A_4 : vector<1x1x1024xf32> to vector<1x1024xf32>
    %get3A_6 = arith.constant 0 : index
    %get3A_7 = arith.constant 0 : index
    %get3A_8 = arith.constant 0 : index
    %get3A_9 = vector.load %arg5[%get3A_6, %get3A_7, %get3A_8] : memref<1x1x1024xf32, #tpu.memory_space<vmem>>, vector<1x1x1024xf32>
    %get3A_10 = vector.shape_cast %get3A_9 : vector<1x1x1024xf32> to vector<1x1024xf32>
    %get3A_11 = arith.constant 0 : index
    %get3A_12 = arith.constant 0 : index
    %get3A_13 = arith.constant 0 : index
    %get3A_14 = vector.load %arg6[%get3A_11, %get3A_12, %get3A_13] : memref<1x1x1024xf32, #tpu.memory_space<vmem>>, vector<1x1x1024xf32>
    %get3A_15 = vector.shape_cast %get3A_14 : vector<1x1x1024xf32> to vector<1x1024xf32>
    %get3A_16 = arith.constant 0 : index
    %get3A_17 = arith.constant 0 : index
    %get3A_18 = arith.constant 0 : index
    %get3A_19 = vector.load %arg7[%get3A_16, %get3A_17, %get3A_18] : memref<1x128x1xf32, #tpu.memory_space<vmem>>, vector<1x128x1xf32>
    %get3A_20 = vector.shape_cast %get3A_19 : vector<1x128x1xf32> to vector<128x1xf32>
    %get3A_21 = arith.constant 0 : index
    %get3A_22 = arith.constant 0 : index
    %get3A_23 = arith.constant 0 : index
    %get3A_24 = vector.load %arg8[%get3A_21, %get3A_22, %get3A_23] : memref<1x128x1xf32, #tpu.memory_space<vmem>>, vector<1x128x1xf32>
    %get3A_25 = vector.shape_cast %get3A_24 : vector<1x128x1xf32> to vector<128x1xf32>
    %get3A_26 = arith.constant 0 : index
    %get3A_27 = arith.constant 0 : index
    %get3A_28 = arith.constant 0 : index
    %get3A_29 = vector.load %arg9[%get3A_26, %get3A_27, %get3A_28] : memref<1x128x1xf32, #tpu.memory_space<vmem>>, vector<1x128x1xf32>
    %get3A_30 = vector.shape_cast %get3A_29 : vector<1x128x1xf32> to vector<128x1xf32>
    %sub3A = vector.broadcast %get3A_20 : vector<128x1xf32> to vector<128x1024xf32>
    %sub3A_31 = vector.broadcast %get3A_5 : vector<1x1024xf32> to vector<128x1024xf32>
    %sub3A_32 = arith.subf %sub3A, %sub3A_31 : vector<128x1024xf32>
    %integer_pow3A = arith.mulf %sub3A_32, %sub3A_32 : vector<128x1024xf32>
    %sub3A_33 = vector.broadcast %get3A_25 : vector<128x1xf32> to vector<128x1024xf32>
    %sub3A_34 = vector.broadcast %get3A_10 : vector<1x1024xf32> to vector<128x1024xf32>
    %sub3A_35 = arith.subf %sub3A_33, %sub3A_34 : vector<128x1024xf32>
    %integer_pow3A_36 = arith.mulf %sub3A_35, %sub3A_35 : vector<128x1024xf32>
    %add3A = arith.addf %integer_pow3A, %integer_pow3A_36 : vector<128x1024xf32>
    %sub3A_37 = vector.broadcast %get3A_30 : vector<128x1xf32> to vector<128x1024xf32>
    %sub3A_38 = vector.broadcast %get3A_15 : vector<1x1024xf32> to vector<128x1024xf32>
    %sub3A_39 = arith.subf %sub3A_37, %sub3A_38 : vector<128x1024xf32>
    %integer_pow3A_40 = arith.mulf %sub3A_39, %sub3A_39 : vector<128x1024xf32>
    %add3A_41 = arith.addf %add3A, %integer_pow3A_40 : vector<128x1024xf32>
    %le3A = arith.constant 4.000000e-02 : f32
    %le3A_42 = vector.broadcast %le3A : f32 to vector<128x1024xf32>
    %le3A_43 = arith.cmpf ole, %add3A_41, %le3A_42 : vector<128x1024xf32>
    %convert_element_type3A_44 = arith.extui %le3A_43 : vector<128x1024xi1> to vector<128x1024xi32>
    %broadcast_in_dim3A = arith.constant 0 : i32
    %broadcast_in_dim3A_45 = vector.broadcast %broadcast_in_dim3A : i32 to vector<128x1xi32>
    %slice3A = vector.extract_strided_slice %convert_element_type3A_44 {offsets = [0, 0], sizes = [128, 1023], strides = [1, 1]} : vector<128x1024xi32> to vector<128x1023xi32>
    %concatenate3A = tpu.concatenate %broadcast_in_dim3A_45, %slice3A in 1 : vector<128x1xi32>, vector<128x1023xi32> -> vector<128x1024xi32>
    %add3A_46 = arith.addi %convert_element_type3A_44, %concatenate3A : vector<128x1024xi32>
    %broadcast_in_dim3A_47 = arith.constant 0 : i32
    %broadcast_in_dim3A_48 = vector.broadcast %broadcast_in_dim3A_47 : i32 to vector<128x2xi32>
    %slice3A_49 = vector.extract_strided_slice %add3A_46 {offsets = [0, 0], sizes = [128, 1022], strides = [1, 1]} : vector<128x1024xi32> to vector<128x1022xi32>
    %concatenate3A_50 = tpu.concatenate %broadcast_in_dim3A_48, %slice3A_49 in 1 : vector<128x2xi32>, vector<128x1022xi32> -> vector<128x1024xi32>
    %add3A_51 = arith.addi %add3A_46, %concatenate3A_50 : vector<128x1024xi32>
    %broadcast_in_dim3A_52 = arith.constant 0 : i32
    %broadcast_in_dim3A_53 = vector.broadcast %broadcast_in_dim3A_52 : i32 to vector<128x4xi32>
    %slice3A_54 = vector.extract_strided_slice %add3A_51 {offsets = [0, 0], sizes = [128, 1020], strides = [1, 1]} : vector<128x1024xi32> to vector<128x1020xi32>
    %concatenate3A_55 = tpu.concatenate %broadcast_in_dim3A_53, %slice3A_54 in 1 : vector<128x4xi32>, vector<128x1020xi32> -> vector<128x1024xi32>
    %add3A_56 = arith.addi %add3A_51, %concatenate3A_55 : vector<128x1024xi32>
    %broadcast_in_dim3A_57 = arith.constant 0 : i32
    %broadcast_in_dim3A_58 = vector.broadcast %broadcast_in_dim3A_57 : i32 to vector<128x8xi32>
    %slice3A_59 = vector.extract_strided_slice %add3A_56 {offsets = [0, 0], sizes = [128, 1016], strides = [1, 1]} : vector<128x1024xi32> to vector<128x1016xi32>
    %concatenate3A_60 = tpu.concatenate %broadcast_in_dim3A_58, %slice3A_59 in 1 : vector<128x8xi32>, vector<128x1016xi32> -> vector<128x1024xi32>
    %add3A_61 = arith.addi %add3A_56, %concatenate3A_60 : vector<128x1024xi32>
    %broadcast_in_dim3A_62 = arith.constant 0 : i32
    %broadcast_in_dim3A_63 = vector.broadcast %broadcast_in_dim3A_62 : i32 to vector<128x16xi32>
    %slice3A_64 = vector.extract_strided_slice %add3A_61 {offsets = [0, 0], sizes = [128, 1008], strides = [1, 1]} : vector<128x1024xi32> to vector<128x1008xi32>
    %concatenate3A_65 = tpu.concatenate %broadcast_in_dim3A_63, %slice3A_64 in 1 : vector<128x16xi32>, vector<128x1008xi32> -> vector<128x1024xi32>
    %add3A_66 = arith.addi %add3A_61, %concatenate3A_65 : vector<128x1024xi32>
    %broadcast_in_dim3A_67 = arith.constant 0 : i32
    %broadcast_in_dim3A_68 = vector.broadcast %broadcast_in_dim3A_67 : i32 to vector<128x32xi32>
    %slice3A_69 = vector.extract_strided_slice %add3A_66 {offsets = [0, 0], sizes = [128, 992], strides = [1, 1]} : vector<128x1024xi32> to vector<128x992xi32>
    %concatenate3A_70 = tpu.concatenate %broadcast_in_dim3A_68, %slice3A_69 in 1 : vector<128x32xi32>, vector<128x992xi32> -> vector<128x1024xi32>
    %add3A_71 = arith.addi %add3A_66, %concatenate3A_70 : vector<128x1024xi32>
    %broadcast_in_dim3A_72 = arith.constant 0 : i32
    %broadcast_in_dim3A_73 = vector.broadcast %broadcast_in_dim3A_72 : i32 to vector<128x64xi32>
    %slice3A_74 = vector.extract_strided_slice %add3A_71 {offsets = [0, 0], sizes = [128, 960], strides = [1, 1]} : vector<128x1024xi32> to vector<128x960xi32>
    %concatenate3A_75 = tpu.concatenate %broadcast_in_dim3A_73, %slice3A_74 in 1 : vector<128x64xi32>, vector<128x960xi32> -> vector<128x1024xi32>
    %add3A_76 = arith.addi %add3A_71, %concatenate3A_75 : vector<128x1024xi32>
    %broadcast_in_dim3A_77 = arith.constant 0 : i32
    %broadcast_in_dim3A_78 = vector.broadcast %broadcast_in_dim3A_77 : i32 to vector<128x128xi32>
    %slice3A_79 = vector.extract_strided_slice %add3A_76 {offsets = [0, 0], sizes = [128, 896], strides = [1, 1]} : vector<128x1024xi32> to vector<128x896xi32>
    %concatenate3A_80 = tpu.concatenate %broadcast_in_dim3A_78, %slice3A_79 in 1 : vector<128x128xi32>, vector<128x896xi32> -> vector<128x1024xi32>
    %add3A_81 = arith.addi %add3A_76, %concatenate3A_80 : vector<128x1024xi32>
    %broadcast_in_dim3A_82 = arith.constant 0 : i32
    %broadcast_in_dim3A_83 = vector.broadcast %broadcast_in_dim3A_82 : i32 to vector<128x256xi32>
    %slice3A_84 = vector.extract_strided_slice %add3A_81 {offsets = [0, 0], sizes = [128, 768], strides = [1, 1]} : vector<128x1024xi32> to vector<128x768xi32>
    %concatenate3A_85 = tpu.concatenate %broadcast_in_dim3A_83, %slice3A_84 in 1 : vector<128x256xi32>, vector<128x768xi32> -> vector<128x1024xi32>
    %add3A_86 = arith.addi %add3A_81, %concatenate3A_85 : vector<128x1024xi32>
    %broadcast_in_dim3A_87 = arith.constant 0 : i32
    %broadcast_in_dim3A_88 = vector.broadcast %broadcast_in_dim3A_87 : i32 to vector<128x512xi32>
    %slice3A_89 = vector.extract_strided_slice %add3A_86 {offsets = [0, 0], sizes = [128, 512], strides = [1, 1]} : vector<128x1024xi32> to vector<128x512xi32>
    %concatenate3A_90 = tpu.concatenate %broadcast_in_dim3A_88, %slice3A_89 in 1 : vector<128x512xi32>, vector<128x512xi32> -> vector<128x1024xi32>
    %add3A_91 = arith.addi %add3A_86, %concatenate3A_90 : vector<128x1024xi32>
    %sub3A_92 = arith.subi %add3A_91, %convert_element_type3A_44 : vector<128x1024xi32>
    %slice3A_93 = vector.extract_strided_slice %add3A_91 {offsets = [0, 1023], sizes = [128, 1], strides = [1, 1]} : vector<128x1024xi32> to vector<128x1xi32>
    %min3A = arith.constant 64 : i32
    %min3A_94 = vector.broadcast %min3A : i32 to vector<128x1xi32>
    %min3A_95 = arith.minsi %slice3A_93, %min3A_94 : vector<128x1xi32>
    %jit3A = arith.constant 64 : i32
    %broadcast_in_dim3A_96 = vector.broadcast %jit3A : i32 to vector<128x1024xi32>
    %select_n3A = arith.select %le3A_43, %sub3A_92, %broadcast_in_dim3A_96 : vector<128x1024xi1>, vector<128x1024xi32>
    %iota3A = tpu.iota {dimensions = array<i32: 1>} : vector<1x64x1xi32>
    %reshape3A = vector.shape_cast %select_n3A : vector<128x1024xi32> to vector<128x1x1024xi32>
    %eq3A_97 = vector.broadcast %reshape3A : vector<128x1x1024xi32> to vector<128x64x1024xi32>
    %eq3A_98 = vector.broadcast %iota3A : vector<1x64x1xi32> to vector<128x64x1024xi32>
    %eq3A_99 = arith.cmpi eq, %eq3A_97, %eq3A_98 : vector<128x64x1024xi32>
    %reshape3A_100 = vector.shape_cast %eq3A_99 : vector<128x64x1024xi1> to vector<8192x1024xi1>
    %convert_element_type3A_101 = arith.extui %reshape3A_100 : vector<8192x1024xi1> to vector<8192x1024xi32>
    %convert_element_type3A_102 = arith.sitofp %convert_element_type3A_101 : vector<8192x1024xi32> to vector<8192x1024xf32>
    %get3A_103 = arith.constant 0 : index
    %get3A_104 = arith.constant 0 : index
    %get3A_105 = vector.load %arg15[%get3A_103, %get3A_104] : memref<1024x128xf32, #tpu.memory_space<vmem>>, vector<1024x128xf32>
    %dot_general3A = arith.constant dense<0.000000e+00> : vector<8192x128xf32>
    %dot_general3A_106 = tpu.matmul %convert_element_type3A_102, %get3A_105, %dot_general3A {dimension_numbers = #tpu.dot_dimension_numbers<[1], [0], [0], [1], [0, 0, 1, 1], [], []>, transpose_lhs_hint = false} : vector<8192x1024xf32>, vector<1024x128xf32>, vector<8192x128xf32> -> vector<8192x128xf32>
    %get3A_107 = arith.constant 0 : index
    %get3A_108 = arith.constant 0 : index
    %get3A_109 = vector.load %arg11[%get3A_107, %get3A_108] : memref<1x128xf32, #tpu.memory_space<vmem>>, vector<1x128xf32>
    %get3A_110 = arith.constant 128 : index
    %get3A_111 = arith.constant 0 : index
    %get3A_112 = vector.load %arg10[%get3A_110, %get3A_111] : memref<131x128xf32, #tpu.memory_space<vmem>>, vector<1x128xf32>
    %mul3A = vector.broadcast %get3A_20 : vector<128x1xf32> to vector<128x128xf32>
    %mul3A_113 = vector.broadcast %get3A_112 : vector<1x128xf32> to vector<128x128xf32>
    %mul3A_114 = arith.mulf %mul3A, %mul3A_113 : vector<128x128xf32>
    %get3A_115 = arith.constant 129 : index
    %get3A_116 = arith.constant 0 : index
    %get3A_117 = vector.load %arg10[%get3A_115, %get3A_116] : memref<131x128xf32, #tpu.memory_space<vmem>>, vector<1x128xf32>
    %mul3A_118 = vector.broadcast %get3A_25 : vector<128x1xf32> to vector<128x128xf32>
    %mul3A_119 = vector.broadcast %get3A_117 : vector<1x128xf32> to vector<128x128xf32>
    %mul3A_120 = arith.mulf %mul3A_118, %mul3A_119 : vector<128x128xf32>
    %add3A_121 = arith.addf %mul3A_114, %mul3A_120 : vector<128x128xf32>
    %get3A_122 = arith.constant 130 : index
    %get3A_123 = arith.constant 0 : index
    %get3A_124 = vector.load %arg10[%get3A_122, %get3A_123] : memref<131x128xf32, #tpu.memory_space<vmem>>, vector<1x128xf32>
    %mul3A_125 = vector.broadcast %get3A_30 : vector<128x1xf32> to vector<128x128xf32>
    %mul3A_126 = vector.broadcast %get3A_124 : vector<1x128xf32> to vector<128x128xf32>
    %mul3A_127 = arith.mulf %mul3A_125, %mul3A_126 : vector<128x128xf32>
    %add3A_128 = arith.addf %add3A_121, %mul3A_127 : vector<128x128xf32>
    %sub3A_129 = vector.broadcast %get3A_109 : vector<1x128xf32> to vector<128x128xf32>
    %sub3A_130 = arith.subf %sub3A_129, %add3A_128 : vector<128x128xf32>
    %reshape3A_131 = vector.shape_cast %sub3A_130 : vector<128x128xf32> to vector<128x1x128xf32>
    %broadcast_in_dim3A_132 = vector.shape_cast %reshape3A_131 : vector<128x1x128xf32> to vector<128x1x128xf32>
    %broadcast_in_dim3A_133 = vector.broadcast %broadcast_in_dim3A_132 : vector<128x1x128xf32> to vector<128x64x128xf32>
    %reshape3A_134 = vector.shape_cast %broadcast_in_dim3A_133 : vector<128x64x128xf32> to vector<8192x128xf32>
    %add3A_135 = arith.addf %dot_general3A_106, %reshape3A_134 : vector<8192x128xf32>
    %max3A = arith.constant 0.000000e+00 : f32
    %max3A_136 = vector.broadcast %max3A : f32 to vector<8192x128xf32>
    %max3A_137 = arith.maximumf %add3A_135, %max3A_136 : vector<8192x128xf32>
    %get3A_138 = arith.constant 0 : index
    %get3A_139 = arith.constant 0 : index
    %get3A_140 = vector.load %arg12[%get3A_138, %get3A_139] : memref<128x256xf32, #tpu.memory_space<vmem>>, vector<128x256xf32>
    %dot_general3A_141 = arith.constant dense<0.000000e+00> : vector<8192x256xf32>
    %dot_general3A_142 = tpu.matmul %max3A_137, %get3A_140, %dot_general3A_141 {dimension_numbers = #tpu.dot_dimension_numbers<[1], [0], [0], [1], [0, 0, 1, 1], [], []>, transpose_lhs_hint = false} : vector<8192x128xf32>, vector<128x256xf32>, vector<8192x256xf32> -> vector<8192x256xf32>
    %reshape3A_143 = vector.shape_cast %dot_general3A_142 : vector<8192x256xf32> to vector<128x64x256xf32>
    %iota3A_144 = tpu.iota {dimensions = array<i32: 1>} : vector<128x64x1xi32>
    %reshape3A_145 = vector.shape_cast %min3A_95 : vector<128x1xi32> to vector<128x1x1xi32>
    %lt3A = vector.broadcast %reshape3A_145 : vector<128x1x1xi32> to vector<128x64x1xi32>
    %lt3A_146 = arith.cmpi slt, %iota3A_144, %lt3A : vector<128x64x1xi32>
    %jit3A_147 = arith.constant 0xFF800000 : f32
    %broadcast_in_dim3A_148 = vector.shape_cast %lt3A_146 : vector<128x64x1xi1> to vector<128x64x1xi1>
    %broadcast_in_dim3A_149 = vector.broadcast %broadcast_in_dim3A_148 : vector<128x64x1xi1> to vector<128x64x256xi1>
    %broadcast_in_dim3A_150 = vector.broadcast %jit3A_147 : f32 to vector<128x64x256xf32>
    %select_n3A_151 = arith.select %broadcast_in_dim3A_149, %reshape3A_143, %broadcast_in_dim3A_150 : vector<128x64x256xi1>, vector<128x64x256xf32>
    %reduce_max3A = arith.constant dense<0xFF800000> : vector<128x256xf32>
    %reduce_max3A_152 = vector.multi_reduction <maximumf>, %select_n3A_151, %reduce_max3A [1] : vector<128x64x256xf32> to vector<128x256xf32>
    %gt3A = arith.constant 0 : i32
    %gt3A_153 = vector.broadcast %gt3A : i32 to vector<128x1xi32>
    %gt3A_154 = arith.cmpi sgt, %min3A_95, %gt3A_153 : vector<128x1xi32>
    %get3A_155 = arith.constant 0 : index
    %get3A_156 = arith.constant 0 : index
    %get3A_157 = vector.load %arg13[%get3A_155, %get3A_156] : memref<1x256xf32, #tpu.memory_space<vmem>>, vector<1x256xf32>
    %add3A_158 = vector.broadcast %get3A_157 : vector<1x256xf32> to vector<128x256xf32>
    %add3A_159 = arith.addf %reduce_max3A_152, %add3A_158 : vector<128x256xf32>
    %jit3A_160 = arith.constant 0.000000e+00 : f32
    %broadcast_in_dim3A_161 = vector.shape_cast %gt3A_154 : vector<128x1xi1> to vector<128x1xi1>
    %broadcast_in_dim3A_162 = vector.broadcast %broadcast_in_dim3A_161 : vector<128x1xi1> to vector<128x256xi1>
    %broadcast_in_dim3A_163 = vector.broadcast %jit3A_160 : f32 to vector<128x256xf32>
    %select_n3A_164 = arith.select %broadcast_in_dim3A_162, %add3A_159, %broadcast_in_dim3A_163 : vector<128x256xi1>, vector<128x256xf32>
    %swap3A = arith.constant 0 : index
    %swap3A_165 = arith.constant 0 : index
    %swap3A_166 = arith.constant 0 : index
    %swap3A_167 = vector.load %arg14[%swap3A, %swap3A_165, %swap3A_166] : memref<1x128x256xf32, #tpu.memory_space<vmem>>, vector<1x128x256xf32>
    %swap3A_168 = vector.shape_cast %swap3A_167 : vector<1x128x256xf32> to vector<128x256xf32>
    %swap3A_169 = vector.shape_cast %select_n3A_164 : vector<128x256xf32> to vector<1x128x256xf32>
    tpu.vector_store %arg14[%swap3A, %swap3A_165, %swap3A_166], %swap3A_169 {strides = array<i32>} : memref<1x128x256xf32, #tpu.memory_space<vmem>>, vector<1x128x256xf32>,
    return
  }
  func.func @transform_0(%arg0: i32, %arg1: i32) -> (i32, i32, i32) {
    %c0_i32 = arith.constant 0 : i32
    %c0_i32_0 = arith.constant 0 : i32
    %c0_i32_1 = arith.constant 0 : i32
    return %arg0, %c0_i32, %c0_i32_0 : i32, i32, i32
  }
  func.func @transform_1(%arg0: i32, %arg1: i32) -> (i32, i32, i32) {
    %c0_i32 = arith.constant 0 : i32
    %c0_i32_0 = arith.constant 0 : i32
    %c0_i32_1 = arith.constant 0 : i32
    return %arg0, %c0_i32, %c0_i32_0 : i32, i32, i32
  }
  func.func @transform_2(%arg0: i32, %arg1: i32) -> (i32, i32, i32) {
    %c0_i32 = arith.constant 0 : i32
    %c0_i32_0 = arith.constant 0 : i32
    %c0_i32_1 = arith.constant 0 : i32
    return %arg0, %c0_i32, %c0_i32_0 : i32, i32, i32
  }
  func.func @transform_3(%arg0: i32, %arg1: i32) -> (i32, i32, i32) {
    %c0_i32 = arith.constant 0 : i32
    %c0_i32_0 = arith.constant 0 : i32
    %c0_i32_1 = arith.constant 0 : i32
    return %arg0, %c0_i32, %c0_i32_0 : i32, i32, i32
  }
  func.func @transform_4(%arg0: i32, %arg1: i32) -> (i32, i32, i32) {
    %c0_i32 = arith.constant 0 : i32
    %c0_i32_0 = arith.constant 0 : i32
    %c0_i32_1 = arith.constant 0 : i32
    return %arg0, %c0_i32, %c0_i32_0 : i32, i32, i32
  }
  func.func @transform_5(%arg0: i32, %arg1: i32) -> (i32, i32, i32) {
    %c0_i32 = arith.constant 0 : i32
    %c0_i32_0 = arith.constant 0 : i32
    return %arg0, %arg1, %c0_i32 : i32, i32, i32
  }
  func.func @transform_6(%arg0: i32, %arg1: i32) -> (i32, i32, i32) {
    %c0_i32 = arith.constant 0 : i32
    %c0_i32_0 = arith.constant 0 : i32
    return %arg0, %arg1, %c0_i32 : i32, i32, i32
  }
  func.func @transform_7(%arg0: i32, %arg1: i32) -> (i32, i32, i32) {
    %c0_i32 = arith.constant 0 : i32
    %c0_i32_0 = arith.constant 0 : i32
    return %arg0, %arg1, %c0_i32 : i32, i32, i32
  }
  func.func @transform_8(%arg0: i32, %arg1: i32) -> (i32, i32) {
    %c0_i32 = arith.constant 0 : i32
    %c0_i32_0 = arith.constant 0 : i32
    %c0_i32_1 = arith.constant 0 : i32
    return %c0_i32, %c0_i32_0 : i32, i32
  }
  func.func @transform_9(%arg0: i32, %arg1: i32) -> (i32, i32) {
    %c0_i32 = arith.constant 0 : i32
    %c0_i32_0 = arith.constant 0 : i32
    %c0_i32_1 = arith.constant 0 : i32
    return %c0_i32, %c0_i32_0 : i32, i32
  }
  func.func @transform_10(%arg0: i32, %arg1: i32) -> (i32, i32) {
    %c0_i32 = arith.constant 0 : i32
    %c0_i32_0 = arith.constant 0 : i32
    %c0_i32_1 = arith.constant 0 : i32
    return %c0_i32, %c0_i32_0 : i32, i32
  }
  func.func @transform_11(%arg0: i32, %arg1: i32) -> (i32, i32) {
    %c0_i32 = arith.constant 0 : i32
    %c0_i32_0 = arith.constant 0 : i32
    %c0_i32_1 = arith.constant 0 : i32
    return %c0_i32, %c0_i32_0 : i32, i32
  }
  func.func @transform_12(%arg0: i32, %arg1: i32) -> (i32, i32, i32) {
    %c0_i32 = arith.constant 0 : i32
    %c0_i32_0 = arith.constant 0 : i32
    return %arg0, %arg1, %c0_i32 : i32, i32, i32
  }
}

</mosaic_0001>

<sc_bundles>
// kernel: gather_offload_async_start
scs
__scs_entry_jumppad:
0x0: {  	(pc) =	sbr.rel $0x88, $3  }
0x1: {  	(tag) =	ssettag $0x0;
	lr =	simm.s32 $0x1  }
0x2: {  	[smem:$0x3F9A] =	sst lr;
	_ =	strace $0xD0000000  }
0x3: {  	_ = 	snop  }
0x4: {  	_ = 	snop  }
0x5: {  	_ = 	snop  }
0x6: {  	_ = 	snop  }
0x7: {  	_ = 	snop  }
__scs_overlays_trampoline_lowered:
0x8: {  	[smem:$0x3FA9] =	sst s0  }
0x9: {  	[smem:$0x3FAA] =	sst s1  }
0xa: {  	[smem:$0x3FAB] =	sst s2  }
0xb: {  	[smem:$0x3FAC] =	sst s3  }
0xc: {  	[smem:$0x3FAD] =	sst s4  }
0xd: {  	[smem:$0x3FAE] =	sst s5  }
0xe: {  	[smem:$0x3FAF] =	sst s6  }
0xf: {  	[smem:$0x3FB0] =	sst s7  }
0x10: {  	[smem:$0x3FB1] =	sst s8  }
0x11: {  	[smem:$0x3FB2] =	sst s9;
	s0 =	simm.s32 @!p0 $0x0  }
0x12: {  	s1 =	sld [smem:$0x3F98];
	s0 =	simm.s32 @p0 $0x1  }
0x13: {  	[smem:$0x3FB3] =	sst s0;
	s0 =	simm.s32 @!p1 $0x0  }
0x14: {  	s2 =	sld [smem:$0x3F97];
	s0 =	simm.s32 @p1 $0x1  }
0x15: {  	[smem:$0x3FB4] =	sst s0;
	s0 =	simm.s32 @!p2 $0x0  }
0x16: {  	s3 =	sld [smem:$0x3FDB];
	s0 =	simm.s32 @p2 $0x1  }
0x17: {  	s4 =	simm.s32 $0x1BF5;
	[smem:$0x3FB6] =	sst s0  }
0x18: {  	s0 =	sld [smem:$0x3F99];
	_ =	swait.ge [sflag:s4], $0x0  }
0x19: {  	s7 =	sld [smem:$0x3F9A]  }
0x1a: {  	s8 =	sadd.s32 $0xFFFFE003, lr  }
0x1b: {  	s9 =	sadd.s32 $0xFFFFFEF7, lr;
	s5 =	simm.s32 $0xFFFFFFFF;
	p2 =	slt.u32 s8, $0xFFFFF086  }
0x1c: {  	p1 =	slt.u32 s9, $0xF7A;
	s5 =	simm.s32 @!p2 $0x0  }
0x1d: {  	s5 =	simm.s32 @p1 $0x1;
	p0 =	seq.s32 s7, s2  }
0x1e: {  	s7 =	smul.u32 @!p0 $0xF7A, s2;
	p2 =	seq.s32 @!p0 s5, $0x0  }
0x1f: {  	s9 =	smul.u32 $0xF7A, s1;
	s8 =	simm.s32 @!p0 $0x1BF5;
	p2 =	por !p2, p0  }
0x20: {  	[sflag:s8] =	ssyncset.s32 @!p0 $0xFFFFF086;
	s6 =	sadd.s32 @!p0 s3, s7;
	s7 =	simm.s32 @!p0 $0x108  }
0x21: {  	s3 =	sadd.s32 s3, s9;
	s6 =	sadd.s32 @!p0 $0x88, s6;
	s7 =	simm.s32 @p2 $0x1082  }
0x22: {  	[simem:s7], [sflag:s8] =	dma.local @!p0 [hbm:s6], $0xF7A  }
0x23: {  	s9 =	sor.u32 $0xD0000000, s2;
	s6 =	simm.s32 $0x108;
	_ =	swait.ge @!p0 [sflag:s8], $0x0  }
0x24: {  	s3 =	sadd.s32 $0x88, s3;
	s6 =	simm.s32 @!p1 $0x1082;
	[sflag:s4] =	ssyncset.s32 $0xFFFFF086  }
0x25: {  	[simem:s6], [sflag:s4] =	dma.local [hbm:s3], $0xF7A  }
0x26: {  	[smem:$0x3F9A] =	sst s1;
	(tag) =	ssettag s2;
	_ =	strace s9  }
0x27: {  	s1 =	sld [smem:$0x3FAA]  }
0x28: {  	s2 =	sld [smem:$0x3FAB]  }
0x29: {  	s4 =	sld [smem:$0x3FAD]  }
0x2a: {  	p0 =	seq.s32 s5, $0x0;
	s5 =	sld [smem:$0x3FAE]  }
0x2b: {  	s6 =	sld [smem:$0x3FAF]  }
0x2c: {  	s7 =	sld [smem:$0x3FB0]  }
0x2d: {  	s3 =	simm.s32 $0x108;
	s8 =	sld [smem:$0x3FB1]  }
0x2e: {  	s3 =	simm.s32 @!p0 $0x1082;
	s9 =	sld [smem:$0x3FB2]  }
0x2f: {  	lr =	sadd.s32 s0, s3;
	s0 =	sld [smem:$0x3FA9]  }
0x30: {  	s3 =	sld [smem:$0x3FAC]  }
0x31: {  	[smem:$0x3FB5] =	sst s10  }
0x32: {  	s10 =	sld [smem:$0x3FB3];
	_ =	sdelay $0x3  }
0x33: {  	p0 =	seq.s32 s10, $0x1;
	s10 =	sld [smem:$0x3FB5];
	_ =	sdelay $0x3  }
0x34: {  	[smem:$0x3FB5] =	sst s10  }
0x35: {  	s10 =	sld [smem:$0x3FB4];
	_ =	sdelay $0x3  }
0x36: {  	p1 =	seq.s32 s10, $0x1;
	s10 =	sld [smem:$0x3FB5];
	_ =	sdelay $0x3  }
0x37: {  	[smem:$0x3FB5] =	sst s10  }
0x38: {  	s10 =	sld [smem:$0x3FB6]  }
0x39: {  	_ = 	snop;
	(pc) =	sbr.ind lr, $3  }
0x3a: {  	_ = 	snop  }
0x3b: {  	_ = 	snop  }
0x3c: {  	p2 =	seq.s32 s10, $0x1;
	s10 =	sld [smem:$0x3FB5]  }
0x3d: {  	_ =	shalt  }
0x3e: {  	_ =	shalt  }
0x3f: {  	_ =	shalt  }
0x40: {  	_ =	shalt  }
0x41: {  	_ =	shalt  }
0x42: {  	_ =	shalt  }
0x43: {  	_ =	shalt  }
0x44: {  	_ =	shalt  }
0x45: {  	_ =	shalt  }
0x46: {  	_ =	shalt  }
0x47: {  	_ =	shalt  }
0x48: {  	_ =	shalt  }
0x49: {  	_ =	shalt  }
0x4a: {  	_ =	shalt  }
0x4b: {  	_ =	shalt  }
0x4c: {  	_ =	shalt  }
0x4d: {  	_ =	shalt  }
0x4e: {  	_ =	shalt  }
0x4f: {  	_ =	shalt  }
0x50: {  	_ =	shalt  }
0x51: {  	_ =	shalt  }
0x52: {  	_ =	shalt  }
0x53: {  	_ =	shalt  }
0x54: {  	_ =	shalt  }
0x55: {  	_ =	shalt  }
0x56: {  	_ =	shalt  }
0x57: {  	_ =	shalt  }
0x58: {  	_ =	shalt  }
0x59: {  	_ =	shalt  }
0x5a: {  	_ =	shalt  }
0x5b: {  	_ =	shalt  }
0x5c: {  	_ =	shalt  }
0x5d: {  	_ =	shalt  }
0x5e: {  	_ =	shalt  }
0x5f: {  	_ =	shalt  }
0x60: {  	_ =	shalt  }
0x61: {  	_ =	shalt  }
0x62: {  	_ =	shalt  }
0x63: {  	_ =	shalt  }
0x64: {  	_ =	shalt  }
0x65: {  	_ =	shalt  }
0x66: {  	_ =	shalt  }
0x67: {  	_ =	shalt  }
0x68: {  	_ =	shalt  }
0x69: {  	_ =	shalt  }
0x6a: {  	_ =	shalt  }
0x6b: {  	_ =	shalt  }
0x6c: {  	_ =	shalt  }
0x6d: {  	_ =	shalt  }
0x6e: {  	_ =	shalt  }
0x6f: {  	_ =	shalt  }
0x70: {  	_ =	shalt  }
0x71: {  	_ =	shalt  }
0x72: {  	_ =	shalt  }
0x73: {  	_ =	shalt  }
0x74: {  	_ =	shalt  }
0x75: {  	_ =	shalt  }
0x76: {  	_ =	shalt  }
0x77: {  	_ =	shalt  }
0x78: {  	_ =	shalt  }
0x79: {  	_ =	shalt  }
0x7a: {  	_ =	shalt  }
0x7b: {  	_ =	shalt  }
0x7c: {  	_ =	shalt  }
0x7d: {  	_ =	shalt  }
0x7e: {  	_ =	shalt  }
0x7f: {  	_ =	shalt  }
0x80: {  	_ =	shalt  }
0x81: {  	_ =	shalt  }
0x82: {  	_ =	shalt  }
0x83: {  	_ =	shalt  }
0x84: {  	_ =	shalt  }
0x85: {  	_ =	shalt  }
0x86: {  	_ =	shalt  }
0x87: {  	_ =	shalt  }
.Lfunc_end0:
.L_simem_size_0:
called_computation_lowered:
.L_overlay_start_0:
0x88: {  	s2 =	sld [smem:$0x3FD9]  }
0x89: {  	s3 =	sld [smem:$0x3FFE];
	_ =	sdelay $0x1  }
0x8a: {  	s1 =	srdreg.scid  }
0x8b: {  	s0 =	sand.u32 $0x1, s1  }
0x8c: {  	s14 =	sshll.u32 s0, $0xA;
	s2 =	sadd.s32 s3, s2  }
0x8d: {  	s2 =	sadd.s32 s2, s14  }
0x8e: {  	[smem:$0x3FC1] =	sst s2  }
0x8f: {  	_ = 	snop  }
0x90: {  	s2 =	sld [smem:$0x3FD0];
	_ =	sdelay $0x2  }
0x91: {  	s15 =	simm.s32 $0xA;
	s4 =	simm.s32 $0x10  }
0x92: {  	[smem:s4], [sflag:s15] =	dma.local [hbm:s2], $0x1  }
0x93: {  	_ =	swait.eq [sflag:s15], $0x1  }
0x94: {  	[sflag:s15] =	ssyncset.done $0x0  }
0x95: {  	[sflag:s15] =	ssyncadd.s32 $0xFFFFFFFF  }
0x96: {  	s16 =	sld [smem:$0x12];
	(tm) =	ssettm $0x1  }
0x97: {  	s17 =	sld [smem:$0x3FFB];
	_ =	sdelay $0x3  }
0x98: {  	_ =	strace s17  }
0x99: {  	s3 =	sld [smem:$0x3FFC];
	_ =	sdelay $0x3  }
0x9a: {  	_ =	strace s3  }
0x9b: {  	s3 =	sld [smem:$0x3FFD];
	_ =	sdelay $0x3  }
0x9c: {  	_ =	strace s3  }
0x9d: {  	_ =	strace $0x8FFFFFFF  }
0x9e: {  	s18 =	sld [smem:$0x3FDB];
	_ =	sdelay $0x1  }
0x9f: {  	s19 =	simm.s32 $_scs_section_size  }
0xa0: {  	s5 =	simm.s32 $_size__tile_overlayer_lowered;
	s6 =	simm.s32 $_tile_overlayer_lowered  }
0xa1: {  	s22 =	simm.s32 $0x1BFF;
	s21 =	sshll.u32 s6, $0x1;
	s3 =	sadd.s32 s19, s18  }
0xa2: {  	s7 =	simm.s32 $0x0;
	s20 =	sshll.u32 s5, $0x1;
	s5 =	sadd.s32 s21, s3  }
0xa3: {  	[timem:s7], [sflag:s22] =	dma.local [hbm:s5], s20  }
0xa4: {  	_ =	swait.ge [sflag:s22], s20  }
0xa5: {  	s4 =	ssub.s32 $0x0, s20;
	[sflag:s22] =	ssyncset.done $0x0  }
0xa6: {  	[sflag:s22] =	ssyncadd.s32 s4;
	_ =	sdelay $0x1  }
0xa7: {  	s23 =	simm.s32 $0x1B8B  }
0xa8: {  	_ =	swait.ge [sflag:s23], $0x1  }
0xa9: {  	[sflag:s23] =	ssyncset.done $0x0  }
0xaa: {  	s25 =	simm.s32 $0x1B8E;
	s24 =	sld [smem:$0x3FFE];
	[sflag:s23] =	ssyncadd.s32 $0xFFFFFFFF  }
0xab: {  	s26 =	simm.s32 $execute0_lowered;
	[smem:$0x3FD2] =	sst s25  }
0xac: {  	s5 =	sshll.u32 s26, $0x1;
	_ =	strace $0x80000046;
	[dreg:$0x1] =	wrdreg $0xFFFFFFFF  }
0xad: {  	s28 =	simm.s32 $_size_execute0_lowered;
	s3 =	sadd.s32 s3, s5;
	[dreg:$0x0] =	wrdreg $0x0  }
0xae: {  	s5 =	sshll.u32 s28, $0x1;
	[dreg:$0x2] =	wrdreg s3  }
0xaf: {  	[dreg:$0x3] =	wrdreg s5  }
0xb0: {  	[dreg:$0x4] =	wrdreg $0xC0  }
0xb1: {  	_ =	task [dreg:s7], $0x5FFFF  }
0xb2: {  	[dreg:$0x1] =	wrdreg $0xFFFFFFFF  }
0xb3: {  	[dreg:$0x0] =	wrdreg $0x60  }
0xb4: {  	[dreg:$0x2] =	wrdreg s24  }
0xb5: {  	[dreg:$0x3] =	wrdreg s16  }
0xb6: {  	[dreg:$0x4] =	wrdreg $0x9  }
0xb7: {  	_ =	task.clear_ibuf [dreg:s7], $0x5FFFF;
	_ =	strace $0x90000046  }
0xb8: {  	s29 =	simm.s32 $0x9;
	_ =	strace $0x80000048  }
0xb9: {  	_ =	swait.ge [sflag:s29], $0x1  }
0xba: {  	[sflag:s29] =	ssyncadd.s32 $0xFFFFFFFF  }
0xbb: {  	_ =	strace $0x90000048  }
0xbc: {  	_ =	sfence  }
0xbd: {  	s30 =	sld [smem:$0x0];
	_ =	sdelay $0x2  }
0xbe: {  	s31 =	sshll.u32 s1, $0xD;
	s1 =	sshrl.u32 s1, $0x2  }
0xbf: {  	s3 =	sand.u32 $0x4000, s31;
	s1 =	sadd.s32 s1, s30  }
0xc0: {  	s0 =	sor.u32 s3, s0;
	s1 =	sshll.u32 s1, $0x11  }
0xc1: {  	s0 =	sor.u32 s1, s0  }
0xc2: {  	s0 =	sadd.s32 $0x8F2B, s0  }
0xc3: {  	[sflag:s0] =	ssyncadd.remote.s32 $0x1  }
0xc4: {  	_ =	sfence.sel $0xFFFF  }
0xc5: {  	[dreg:$0x0] =	wrdreg $0xFFFFFFFF;
	(pc) =	sbr.abs _section_cstart, $3  }
0xc6: {  	[dreg:$0x1] =	wrdreg $0xFFFFFFFF  }
0xc7: {  	_ =	task.clear_ibuf [dreg:s7], $0x2FFFF;
	_ =	strace $0x9FFFFFFF  }
0xc8: {  	(tm) =	ssettm $0x7FFFFFFF  }
0xc9: {  	_ =	shalt  }
tec
execute0_lowered:
.L_overlay_start_1:
0x0: {  	(tag) =	ssettag $0x1  }
0x1: {  	s1 =	srdreg.scid;
	s5 =	rddreg [dreg:$0x0]  }
0x2: {  	s0 =	stileid.u32;
	s2 =	rddreg [dreg:$0x1];
	s6 =	simm.s32 $0x1  }
0x3: {  	s9 =	simm.s32 $0x1;
	s10 =	simm.s32 $0x3;
	s1 =	sshll.u32 s1, $0x6  }
0x4: {  	s13 =	simm.s32 $0x0;
	s3 =	sshll.u32 s0, $0x7;
	s4 =	sand.u32 $0x40, s1  }
0x5: {  	s12 =	simm.s32 $0x0;
	s1 =	rddreg [dreg:$0x2];
	s3 =	sor.u32 s3, s4  }
0x6: {  	_ =	strace $0x80000047;
	s4 =	sadd.s32 $0x40200, s5;
	s8 =	ssub.s32 $0x1000, s3  }
.Ltmp0:
0x7: {  	s5 =	sadd.s32 $0x40A00, s5;
	s7 =	sand.u32 $0x7C0, s8;
	(pc) =	sbr.rel .LBB2_1-.Ltmp0, $4  }
0x8: {  	[sflag:s6] =	ssyncpa.u1 $0x0;
	s11 =	smov.u32 s3;
	p0 =	sne.s32 s7, $0x0  }
0x9: {  	s8 =	sshrl.u32 s8, $0xB;
	s7 =	simm.s32 $0x2;
	s9 =	simm.s32 @!p0 $0x0  }
0xa: {  	[sflag:s7] =	ssyncpa.u1 $0x0;
	p0 =	por $0x0, $0x0;
	s8 =	sadd.s32 s9, s8  }
0xb: {  	vm0 =	vmmov $0xffff;
	[sflag:s10] =	ssyncpa.u1 $0x0;
	s10 =	simm.s32 $0x0;
	s9 =	sadd.s32 $0x1, s8  }
.LBB2_4:
0xc: {  	vm1 =	veq.s32 v0, $0x80000000;
	v63 =	vand.u32 $0xF, v0;
	v2 =	vand.u32 $0x3FF, v2  }
0xd: {  	v0 =	vsel vm1, $0xFFFFFFFF, v63;
	v2 =	vsel vm1, $0xFFFFFFFF, v2  }
0xe: {  	v3 =	vshll.u32 v0, $0xA;
	v4 =	vshll.u32 v2, $0x3  }
0xf: {  	v0 =	vshll.u32 v0, $0x7;
	v3 =	vand.u32 $0xFFFFE000, v3;
	v4 =	vand.u32 $0xFFFFFC00, v4  }
0x10: {  	v0 =	vand.u32 $0x380, v0;
	v3 =	vadd.s32 v3, v4  }
0x11: {  	v2 =	vand.u32 $0x7F, v2;
	v0 =	vor.u32 v0, v3  }
0x12: {  	v0 =	vor.u32 v2, v0;
	_ =	sdelay $0x1  }
0x13: {  	(ifvalue) =	ssetifvalue $0x7FFFFFFF;
	s14 =	sadd.s32 $0x10, s14  }
0x14: {  	[tilespmem:s14], [sflag:$0x1] =	stream.indirect_vreg.gather [hbm4b:s4+s10], $0x1, v1, vm0, $0x4038;
	[tilespmem:$0x100] =	vst v63  }
0x15: {  	(ifvalue) =	ssetifvalue $0x7FFFFFFF;
	s14 =	sadd.s32 $0x10, s14  }
0x16: {  	[tilespmem:s14], [sflag:$0x1] =	stream.indirect_vreg.gather [hbm4b:s4+s10], $0x1, v0, vm0, $0x4038;
	[tilespmem:$0x100] =	vst v63  }
0x17: {  	_ =	swait.ge [sflag:s6], $0x40  }
0x18: {  	s30 =	sshrl.u32 s13, $0x3;
	[sflag:s6] =	ssyncset.done $0x0  }
0x19: {  	s31 =	sand.u32 $0x7, s13;
	s14 =	sadd.s32 s5, s30;
	[sflag:s6] =	ssyncadd.s32 $0xFFFFFFC0  }
0x1a: {  	[hbm4b:s14+s31] =	stream.linear.scatter [tilespmem:s15], [sflag:$0x3], $0x40, $0x38;
	[tilespmem:$0x100] =	vst v63  }
.LBB2_5:
0x1b: {  	s15 =	sadd.s32 $0x800, s11  }
0x1c: {  	p2 =	sgt.s32 s15, $0xFFF  }
0x1d: {  	s15 =	smov.u32 @p2 s3;
	p2 =	sne.s32 s12, s9  }
.Ltmp1:
0x1e: {  	p1 =	slt.u32 s12, $0x2;
	(pc) =	sbr.rel @!p2 .LBB2_6-.Ltmp1, $4  }
0x1f: {  	s14 =	simm.s32 @!p1 $0x3  }
0x20: {  	s16 =	sadd.s32 $0x1, s12;
	_ =	swait.ge @!p1 [sflag:s14], $0x40  }
0x21: {  	s13 =	smov.u32 s11;
	p0 =	por !p0, !p0;
	[sflag:s14] =	ssyncset.done @!p1 $0x0  }
0x22: {  	s12 =	smov.u32 s16;
	s11 =	smov.u32 s15;
	[sflag:s14] =	ssyncadd.s32 @!p1 $0xFFFFFFC0  }
.LBB2_1:
0x23: {  	p1 =	sge.u32 s12, s8  }
0x24: {  	s14 =	sxor.u32 @!p1 $0xFFFFFFFF, s12  }
0x25: {  	s31 =	sadd.s32 $0xFFFFFFFF, s12;
	s15 =	sshrl.u32 @!p1 s11, $0x3;
	s14 =	sshll.u32 @!p1 s14, $0x6  }
0x26: {  	s16 =	sand.u32 @!p1 $0x7, s11;
	s15 =	sadd.s32 @!p1 s2, s15;
	s14 =	sand.u32 @!p1 $0x40, s14  }
0x27: {  	[tilespmem:s14], [sflag:$0x2] =	stream.linear.gather @!p1 [hbm4b:s15+s16], $0x40, $0x38;
	[tilespmem:$0x100] =	vst v63  }
0x28: {  	p1 =	sge.u32 s31, s8  }
.Ltmp2:
0x29: {  	_ = 	snop;
	(pc) =	sbr.rel @p1 .LBB2_5-.Ltmp2, $1  }
0x2a: {  	_ =	sdelay $0x3  }
0x2b: {  	s14 =	simm.s32 $0x1  }
0x2c: {  	_ =	swait.ge [sflag:s7], $0x40;
	s14 =	simm.s32 @!p0 $0x0  }
0x2d: {  	[sflag:s7] =	ssyncset.done $0x0;
	s14 =	sshll.u32 s14, $0x6  }
0x2e: {  	[sflag:s7] =	ssyncadd.s32 $0xFFFFFFC0;
	(ifvalue) =	ssetifvalue $0x7FFFFFFF;
	v0 =	vld.msk [tilespmem:s14+$0x0 ss:$0x1], $0xffff;
	_ =	sdelay $0x3  }
0x2f: {  	s15 =	sadd.s32 $0x10, s14  }
0x30: {  	v2 =	vld.msk [tilespmem:s15+$0x0 ss:$0x1], $0xffff;
	v1 =	vshrl.u32 v0, $0x4  }
0x31: {  	vm1 =	veq.s32 v0, $0x80000000;
	v0 =	vand.u32 $0xF, v0;
	v1 =	vand.u32 $0x3FF, v1  }
0x32: {  	v0 =	vsel vm1, $0xFFFFFFFF, v0;
	v1 =	vsel vm1, $0xFFFFFFFF, v1  }
0x33: {  	v3 =	vshll.u32 v0, $0xA;
	v4 =	vshll.u32 v1, $0x3  }
0x34: {  	v0 =	vshll.u32 v0, $0x7;
	v3 =	vand.u32 $0xFFFFE000, v3;
	v4 =	vand.u32 $0xFFFFFC00, v4  }
0x35: {  	vm1 =	veq.s32 v2, $0x80000000;
	v0 =	vand.u32 $0x380, v0;
	v3 =	vadd.s32 v3, v4  }
0x36: {  	v1 =	vand.u32 $0x7F, v1;
	v0 =	vor.u32 v0, v3;
	v3 =	vshrl.u32 v2, $0x4  }
0x37: {  	s17 =	sadd.s32 $0x10, s15;
	v2 =	vand.u32 $0xF, v2;
	v1 =	vor.u32 v1, v0;
	v3 =	vand.u32 $0x3FF, v3  }
0x38: {  	v0 =	vld.msk [tilespmem:s17+$0x0 ss:$0x1], $0xffff;
	v2 =	vsel vm1, $0xFFFFFFFF, v2;
	v3 =	vsel vm1, $0xFFFFFFFF, v3  }
0x39: {  	v63 =	vshll.u32 v2, $0xA;
	v5 =	vshll.u32 v3, $0x3  }
0x3a: {  	s31 =	sshll.u32 s12, $0x6;
	v2 =	vshll.u32 v2, $0x7;
	v4 =	vand.u32 $0xFFFFE000, v63;
	v5 =	vand.u32 $0xFFFFFC00, v5  }
0x3b: {  	s14 =	sor.u32 $0x80, s14;
	s15 =	sand.u32 $0x40, s31;
	(ifvalue) =	ssetifvalue $0x7FFFFFFF;
	v2 =	vand.u32 $0x380, v2;
	v4 =	vadd.s32 v4, v5  }
0x3c: {  	[tilespmem:s14], [sflag:$0x1] =	stream.indirect_vreg.gather [hbm4b:s4+s10], $0x1, v1, vm0, $0x4038;
	v1 =	vand.u32 $0x7F, v3;
	v3 =	vor.u32 v2, v4;
	[tilespmem:$0x100] =	vst v63  }
0x3d: {  	s16 =	simm.s32 $0x20;
	s15 =	sor.u32 $0x80, s15;
	s17 =	sadd.s32 $0x10, s17;
	v2 =	vshrl.u32 v0, $0x4;
	v1 =	vor.u32 v1, v3  }
.LBB2_3:
0x3e: {  	s16 =	sadd.s32 $0x10, s16;
	vm1 =	veq.s32 v0, $0x80000000;
	v3 =	vand.u32 $0xF, v0;
	v0 =	vld.msk [tilespmem:s17+$0x0 ss:$0x1], $0xffff;
	v2 =	vand.u32 $0x3FF, v2  }
0x3f: {  	p1 =	slt.u32 s16, $0x30;
	v3 =	vsel vm1, $0xFFFFFFFF, v3;
	v2 =	vsel vm1, $0xFFFFFFFF, v2  }
.Ltmp3:
0x40: {  	v4 =	vshll.u32 v3, $0xA;
	v5 =	vshll.u32 v2, $0x3;
	(pc) =	sbr.rel @p1 .LBB2_3-.Ltmp3, $4  }
0x41: {  	s14 =	sadd.s32 $0x10, s14;
	v3 =	vshll.u32 v3, $0x7;
	v4 =	vand.u32 $0xFFFFE000, v4;
	v5 =	vand.u32 $0xFFFFFC00, v5;
	(ifvalue) =	ssetifvalue $0x7FFFFFFF  }
0x42: {  	v3 =	vand.u32 $0x380, v3;
	v4 =	vadd.s32 v4, v5;
	[tilespmem:s14], [sflag:$0x1] =	stream.indirect_vreg.gather [hbm4b:s4+s10], $0x1, v1, vm0, $0x4038;
	[tilespmem:$0x100] =	vst v63  }
0x43: {  	v1 =	vand.u32 $0x7F, v2;
	v3 =	vor.u32 v3, v4  }
0x44: {  	s17 =	sadd.s32 $0x10, s17;
	v2 =	vshrl.u32 v0, $0x4;
	v1 =	vor.u32 v1, v3  }
.Ltmp4:
0x45: {  	_ = 	snop;
	(pc) =	sbr.rel .LBB2_4-.Ltmp4, $1  }
0x46: {  	_ =	sdelay $0x3  }
.LBB2_6:
0x47: {  	_ =	sfence.sel $0x180000  }
0x48: {  	s2 =	simm.s32 $0x2;
	[bflag:$0x0] =	sbarrier.arrive $0xFFFF  }
0x49: {  	s30 =	simm.s32 $0x3;
	[sflag:s2] =	ssyncpa.u1 $0x1  }
0x4a: {  	s31 =	simm.s32 $0x1;
	[sflag:s30] =	ssyncpa.u1 $0x1  }
0x4b: {  	[sflag:s31] =	ssyncpa.u1 $0x1  }
0x4c: {  	p0 =	sne.s32 s0, $0x0;
	_ =	strace $0x90000047  }
0x4d: {  	s0 =	sadd.s32 @!p0 $0x100000, s1;
	[bflag:$0x2] =	sbarrier.arrive $0xFFFF  }
0x4e: {  	[sflag:s0] =	ssyncadd.tile.s32 @!p0 $0x1;
	_ =	shalt  }
.Lfunc_end2:
_tile_overlayer_lowered:
.L_overlay_start_2:
0x4f: {  	(tag) =	ssettag $0x2  }
0x50: {  	s0 =	rddreg [dreg:$0x0];
	s2 =	stileid.u32  }
0x51: {  	s1 =	rddreg [dreg:$0x1];
	p0 =	sne.s32 s2, $0x0  }
0x52: {  	s3 =	rddreg [dreg:$0x2];
	[bflag:$0x3] =	sbarrier.arrive $0xFFFF;
	s2 =	simm.s32 @!p0 $0x1C01  }
0x53: {  	[timem:s3], [sflag:s2] =	dma.local @!p0 [hbm:s0], s1  }
0x54: {  	s0 =	simm.s32 @!p0 $0x1  }
0x55: {  	_ =	swait.ge @!p0 [sflag:s0], s1  }
0x56: {  	s1 =	ssub.s32 @!p0 $0x0, s1;
	[sflag:s0] =	ssyncset.done @!p0 $0x0  }
0x57: {  	[sflag:s0] =	ssyncadd.s32 @!p0 s1  }
0x58: {  	[bflag:$0x3] =	sbarrier.arrive $0xFFFF  }
0x59: {  	_ =	shalt  }

</sc_bundles>
